<compile_context>
chip_gen: v7x
topology: tpu7x:2x2x1
jax: 0.10.2.dev20260603
libtpu: 0.0.44.dev20260713+nightly
codegen_flags: <defaults>
</compile_context>

<pallas_src>
import jax
import jax.numpy as jnp
from jax import lax
from jax.experimental import pallas as pl
from jax.experimental.pallas import tpu as pltpu
from jax.experimental.pallas import tpu_sc as plsc

_LANES = 16


def _make_sc_kernel(batch, num_fields, vocab, nc, ns):
    nw = nc * ns
    n_per = batch // nw

    n_flat = n_per * num_fields

    def body(xt_hbm, w_hbm, b_hbm, out_hbm, idx_v, vals_v, out_v, bias_v,
             w_sp, sem, sem2, sem3, semw):
        cid = lax.axis_index("c")
        sid = lax.axis_index("s")
        wid = sid * nc + cid
        b0 = wid * n_per

        descs = [
            pltpu.async_copy(
                xt_hbm.at[j, pl.ds(b0, n_per)],
                idx_v.at[pl.ds(j * n_per, n_per)],
                sem2 if j < num_fields // 2 else sem3,
            )
            for j in range(num_fields)
        ]
        pltpu.sync_copy(b_hbm, bias_v.at[pl.ds(0, 1)])

        @pl.when(sid == 0)
        def _():
            pltpu.async_copy(w_hbm, w_sp, semw)

        half = num_fields // 2
        cut = half * n_per
        for d in descs[:half]:
            d.wait()
        ga = pltpu.async_copy(
            w_hbm.at[0].at[idx_v.at[pl.ds(0, cut)]],
            vals_v.at[pl.ds(0, cut)], sem)
        for d in descs[half:]:
            d.wait()

        @pl.when(sid == 0)
        def _():
            pltpu.make_async_copy(w_hbm, w_sp, semw).wait()

        plsc.subcore_barrier()
        gb = pltpu.async_copy(
            w_sp.at[0].at[idx_v.at[pl.ds(cut, n_flat - cut)]],
            vals_v.at[pl.ds(cut, n_flat - cut)], sem3)

        bias_vec = jnp.broadcast_to(bias_v[pl.ds(0, _LANES)][0], (_LANES,))
        nchunk = n_per // _LANES

        ga.wait()

        def chunk_a(c, carry):
            acc = bias_vec
            for j in range(half):
                acc = acc + vals_v[pl.ds(j * n_per + c * _LANES, _LANES)]
            out_v[pl.ds(c * _LANES, _LANES)] = acc
            return carry

        lax.fori_loop(0, nchunk, chunk_a, 0)
        gb.wait()

        def chunk_b(c, carry):
            acc = out_v[pl.ds(c * _LANES, _LANES)]
            for j in range(half, num_fields):
                acc = acc + vals_v[pl.ds(j * n_per + c * _LANES, _LANES)]
            out_v[pl.ds(c * _LANES, _LANES)] = acc
            return carry

        lax.fori_loop(0, nchunk, chunk_b, 0)
        pltpu.sync_copy(out_v, out_hbm.at[pl.ds(b0, n_per)])

    mesh = plsc.VectorSubcoreMesh(
        core_axis_name="c", subcore_axis_name="s", num_cores=nc
    )
    return pl.kernel(
        body,
        out_type=jax.ShapeDtypeStruct((batch,), jnp.float32),
        mesh=mesh,
        compiler_params=pltpu.CompilerParams(
            needs_layout_passes=False, skip_device_barrier=True
        ),
        scratch_types=[
            pltpu.VMEM((n_flat,), jnp.int32),
            pltpu.VMEM((n_flat,), jnp.float32),
            pltpu.VMEM((n_per,), jnp.float32),
            pltpu.VMEM((128,), jnp.float32),
            pltpu.VMEM_SHARED((1, vocab), jnp.float32),
            pltpu.SemaphoreType.DMA,
            pltpu.SemaphoreType.DMA,
            pltpu.SemaphoreType.DMA,
            pltpu.SemaphoreType.DMA,
        ],
    )


@jax.jit
def kernel(x, fc_weight, bias):
    batch, num_fields = x.shape
    info = plsc.get_sparse_core_info()
    nc, ns = info.num_cores, info.num_subcores

    sc = _make_sc_kernel(batch, num_fields, fc_weight.shape[0], nc, ns)
    out = sc(x.T.astype(jnp.int32), fc_weight.T, bias.astype(jnp.float32))
    return out.reshape(batch, 1)

# --- scband reference (transcript-rebuilt; emitter-appended) ---
"""Pipeline reference for scband-features-linear-4183298146365 (READ-ONLY COPY).

The authoritative reference and input builder live on the scoring server;
editing this copy changes nothing except your own understanding.
"""

import jax, jax.numpy as jnp
import numpy as np

FIELD_DIMS = 1000000
OUTPUT_DIM = 1
BATCH = 16384
NUM_FIELDS = 26

def setup_inputs(seed: int = 0) -> dict:
    key = jax.random.key(seed)
    k1, k2 = jax.random.split(key)
    x = jax.random.randint(k1, (BATCH, NUM_FIELDS), 0, FIELD_DIMS, dtype=jnp.int64 if jax.config.jax_enable_x64 else jnp.int32)
    fc_weight = jax.random.normal(k2, (FIELD_DIMS, OUTPUT_DIM), dtype=jnp.float32) * 0.01
    bias = jnp.zeros((OUTPUT_DIM,), dtype=jnp.float32)
    return {"x": x, "fc_weight": fc_weight, "bias": bias}

def reference(x, fc_weight, bias):
    # embedding lookup: (B, F, output_dim)
    emb = jnp.take(fc_weight, x, axis=0)
    # sum over fields + bias: (B, output_dim)
    return jnp.sum(emb, axis=1) + bias

if __name__ == "__main__":
    import jax
    _d = setup_inputs()
    print(jax.jit(kernel)(*tuple(_d.values())))

</pallas_src>

<mosaic_0001>
#map = affine_map<(d0, d1) -> (0, 0)>
#map1 = affine_map<(d0, d1) -> (0)>
module attributes {stable_mosaic.version = 14 : i64} {
  func.func @body(%arg0: i32, %arg1: i32, %arg2: memref<26x16384xi32, #tpu.memory_space<hbm>>, %arg3: memref<1x1000000xf32, #tpu.memory_space<hbm>>, %arg4: memref<1xf32, #tpu.memory_space<hbm>>, %arg5: memref<16384xf32, #tpu.memory_space<hbm>>, %arg6: memref<13312xi32, #tpu.memory_space<vmem>>, %arg7: memref<13312xf32, #tpu.memory_space<vmem>>, %arg8: memref<512xf32, #tpu.memory_space<vmem>>, %arg9: memref<128xf32, #tpu.memory_space<vmem>>, %arg10: memref<1x1000000xf32, #tpu.memory_space<vmem_shared>>, %arg11: memref<!tpu.dma_semaphore, #tpu.memory_space<semaphore_mem>>, %arg12: memref<!tpu.dma_semaphore, #tpu.memory_space<semaphore_mem>>, %arg13: memref<!tpu.dma_semaphore, #tpu.memory_space<semaphore_mem>>, %arg14: memref<!tpu.dma_semaphore, #tpu.memory_space<semaphore_mem>>) attributes {dimension_semantics = [#tpu.dimension_semantics<core_parallel>, #tpu.dimension_semantics<subcore_parallel>], iteration_bounds = array<i64: 2, 16>, scalar_prefetch = 0 : i64, scratch_operands = 9 : i64, tpu.core_type = #tpu.core_type<sc_vector_subcore>, window_params = [{transform_indices = #map}, {transform_indices = #map}, {transform_indices = #map1}, {transform_indices = #map1}]} {
    %mul3A = arith.constant 2 : i32
    %mul3A_0 = arith.muli %arg1, %mul3A : i32
    %add3A = arith.addi %mul3A_0, %arg0 : i32
    %mul3A_1 = arith.constant 512 : i32
    %mul3A_2 = arith.muli %add3A, %mul3A_1 : i32
    %dma_start3A = arith.constant 0 : i32
    %dma_start3A_3 = arith.constant 0 : i32
    %dma_start3A_4 = tpu.memref_slice %arg6[%dma_start3A_3] : memref<13312xi32, #tpu.memory_space<vmem>> -> memref<512xi32, #tpu.memory_space<vmem>>
    %dma_start3A_5 = tpu.memref_slice %arg2[%dma_start3A, %mul3A_2] : memref<26x16384xi32, #tpu.memory_space<hbm>> -> memref<1x512xi32, #tpu.memory_space<hbm>>
    %dma_start3A_6 = tpu.memref_squeeze %dma_start3A_5 : memref<1x512xi32, #tpu.memory_space<hbm>> -> memref<512xi32, #tpu.memory_space<hbm>>
    %dma_start3A_7 = arith.constant 0 : i32
    %dma_start3A_8 = tpu.memref_slice %arg6[%dma_start3A_7] : memref<13312xi32, #tpu.memory_space<vmem>> -> memref<512xi32, #tpu.memory_space<vmem>>
    %dma_start3A_9 = tpu.memref_slice %arg2[%dma_start3A, %mul3A_2] : memref<26x16384xi32, #tpu.memory_space<hbm>> -> memref<1x512xi32, #tpu.memory_space<hbm>>
    %dma_start3A_10 = tpu.memref_squeeze %dma_start3A_9 : memref<1x512xi32, #tpu.memory_space<hbm>> -> memref<512xi32, #tpu.memory_space<hbm>>
    tpu.enqueue_dma source(%dma_start3A_10 : memref<512xi32, #tpu.memory_space<hbm>>) target(%dma_start3A_8 : memref<512xi32, #tpu.memory_space<vmem>>) target_semaphore(%arg12 : memref<!tpu.dma_semaphore, #tpu.memory_space<semaphore_mem>>)
    %dma_start3A_11 = arith.constant 1 : i32
    %dma_start3A_12 = arith.constant 512 : i32
    %dma_start3A_13 = tpu.memref_slice %arg6[%dma_start3A_12] : memref<13312xi32, #tpu.memory_space<vmem>> -> memref<512xi32, #tpu.memory_space<vmem>>
    %dma_start3A_14 = tpu.memref_slice %arg2[%dma_start3A_11, %mul3A_2] : memref<26x16384xi32, #tpu.memory_space<hbm>> -> memref<1x512xi32, #tpu.memory_space<hbm>>
    %dma_start3A_15 = tpu.memref_squeeze %dma_start3A_14 : memref<1x512xi32, #tpu.memory_space<hbm>> -> memref<512xi32, #tpu.memory_space<hbm>>
    %dma_start3A_16 = arith.constant 512 : i32
    %dma_start3A_17 = tpu.memref_slice %arg6[%dma_start3A_16] : memref<13312xi32, #tpu.memory_space<vmem>> -> memref<512xi32, #tpu.memory_space<vmem>>
    %dma_start3A_18 = tpu.memref_slice %arg2[%dma_start3A_11, %mul3A_2] : memref<26x16384xi32, #tpu.memory_space<hbm>> -> memref<1x512xi32, #tpu.memory_space<hbm>>
    %dma_start3A_19 = tpu.memref_squeeze %dma_start3A_18 : memref<1x512xi32, #tpu.memory_space<hbm>> -> memref<512xi32, #tpu.memory_space<hbm>>
    tpu.enqueue_dma source(%dma_start3A_19 : memref<512xi32, #tpu.memory_space<hbm>>) target(%dma_start3A_17 : memref<512xi32, #tpu.memory_space<vmem>>) target_semaphore(%arg12 : memref<!tpu.dma_semaphore, #tpu.memory_space<semaphore_mem>>)
    %dma_start3A_20 = arith.constant 2 : i32
    %dma_start3A_21 = arith.constant 1024 : i32
    %dma_start3A_22 = tpu.memref_slice %arg6[%dma_start3A_21] : memref<13312xi32, #tpu.memory_space<vmem>> -> memref<512xi32, #tpu.memory_space<vmem>>
    %dma_start3A_23 = tpu.memref_slice %arg2[%dma_start3A_20, %mul3A_2] : memref<26x16384xi32, #tpu.memory_space<hbm>> -> memref<1x512xi32, #tpu.memory_space<hbm>>
    %dma_start3A_24 = tpu.memref_squeeze %dma_start3A_23 : memref<1x512xi32, #tpu.memory_space<hbm>> -> memref<512xi32, #tpu.memory_space<hbm>>
    %dma_start3A_25 = arith.constant 1024 : i32
    %dma_start3A_26 = tpu.memref_slice %arg6[%dma_start3A_25] : memref<13312xi32, #tpu.memory_space<vmem>> -> memref<512xi32, #tpu.memory_space<vmem>>
    %dma_start3A_27 = tpu.memref_slice %arg2[%dma_start3A_20, %mul3A_2] : memref<26x16384xi32, #tpu.memory_space<hbm>> -> memref<1x512xi32, #tpu.memory_space<hbm>>
    %dma_start3A_28 = tpu.memref_squeeze %dma_start3A_27 : memref<1x512xi32, #tpu.memory_space<hbm>> -> memref<512xi32, #tpu.memory_space<hbm>>
    tpu.enqueue_dma source(%dma_start3A_28 : memref<512xi32, #tpu.memory_space<hbm>>) target(%dma_start3A_26 : memref<512xi32, #tpu.memory_space<vmem>>) target_semaphore(%arg12 : memref<!tpu.dma_semaphore, #tpu.memory_space<semaphore_mem>>)
    %dma_start3A_29 = arith.constant 3 : i32
    %dma_start3A_30 = arith.constant 1536 : i32
    %dma_start3A_31 = tpu.memref_slice %arg6[%dma_start3A_30] : memref<13312xi32, #tpu.memory_space<vmem>> -> memref<512xi32, #tpu.memory_space<vmem>>
    %dma_start3A_32 = tpu.memref_slice %arg2[%dma_start3A_29, %mul3A_2] : memref<26x16384xi32, #tpu.memory_space<hbm>> -> memref<1x512xi32, #tpu.memory_space<hbm>>
    %dma_start3A_33 = tpu.memref_squeeze %dma_start3A_32 : memref<1x512xi32, #tpu.memory_space<hbm>> -> memref<512xi32, #tpu.memory_space<hbm>>
    %dma_start3A_34 = arith.constant 1536 : i32
    %dma_start3A_35 = tpu.memref_slice %arg6[%dma_start3A_34] : memref<13312xi32, #tpu.memory_space<vmem>> -> memref<512xi32, #tpu.memory_space<vmem>>
    %dma_start3A_36 = tpu.memref_slice %arg2[%dma_start3A_29, %mul3A_2] : memref<26x16384xi32, #tpu.memory_space<hbm>> -> memref<1x512xi32, #tpu.memory_space<hbm>>
    %dma_start3A_37 = tpu.memref_squeeze %dma_start3A_36 : memref<1x512xi32, #tpu.memory_space<hbm>> -> memref<512xi32, #tpu.memory_space<hbm>>
    tpu.enqueue_dma source(%dma_start3A_37 : memref<512xi32, #tpu.memory_space<hbm>>) target(%dma_start3A_35 : memref<512xi32, #tpu.memory_space<vmem>>) target_semaphore(%arg12 : memref<!tpu.dma_semaphore, #tpu.memory_space<semaphore_mem>>)
    %dma_start3A_38 = arith.constant 4 : i32
    %dma_start3A_39 = arith.constant 2048 : i32
    %dma_start3A_40 = tpu.memref_slice %arg6[%dma_start3A_39] : memref<13312xi32, #tpu.memory_space<vmem>> -> memref<512xi32, #tpu.memory_space<vmem>>
    %dma_start3A_41 = tpu.memref_slice %arg2[%dma_start3A_38, %mul3A_2] : memref<26x16384xi32, #tpu.memory_space<hbm>> -> memref<1x512xi32, #tpu.memory_space<hbm>>
    %dma_start3A_42 = tpu.memref_squeeze %dma_start3A_41 : memref<1x512xi32, #tpu.memory_space<hbm>> -> memref<512xi32, #tpu.memory_space<hbm>>
    %dma_start3A_43 = arith.constant 2048 : i32
    %dma_start3A_44 = tpu.memref_slice %arg6[%dma_start3A_43] : memref<13312xi32, #tpu.memory_space<vmem>> -> memref<512xi32, #tpu.memory_space<vmem>>
    %dma_start3A_45 = tpu.memref_slice %arg2[%dma_start3A_38, %mul3A_2] : memref<26x16384xi32, #tpu.memory_space<hbm>> -> memref<1x512xi32, #tpu.memory_space<hbm>>
    %dma_start3A_46 = tpu.memref_squeeze %dma_start3A_45 : memref<1x512xi32, #tpu.memory_space<hbm>> -> memref<512xi32, #tpu.memory_space<hbm>>
    tpu.enqueue_dma source(%dma_start3A_46 : memref<512xi32, #tpu.memory_space<hbm>>) target(%dma_start3A_44 : memref<512xi32, #tpu.memory_space<vmem>>) target_semaphore(%arg12 : memref<!tpu.dma_semaphore, #tpu.memory_space<semaphore_mem>>)
    %dma_start3A_47 = arith.constant 5 : i32
    %dma_start3A_48 = arith.constant 2560 : i32
    %dma_start3A_49 = tpu.memref_slice %arg6[%dma_start3A_48] : memref<13312xi32, #tpu.memory_space<vmem>> -> memref<512xi32, #tpu.memory_space<vmem>>
    %dma_start3A_50 = tpu.memref_slice %arg2[%dma_start3A_47, %mul3A_2] : memref<26x16384xi32, #tpu.memory_space<hbm>> -> memref<1x512xi32, #tpu.memory_space<hbm>>
    %dma_start3A_51 = tpu.memref_squeeze %dma_start3A_50 : memref<1x512xi32, #tpu.memory_space<hbm>> -> memref<512xi32, #tpu.memory_space<hbm>>
    %dma_start3A_52 = arith.constant 2560 : i32
    %dma_start3A_53 = tpu.memref_slice %arg6[%dma_start3A_52] : memref<13312xi32, #tpu.memory_space<vmem>> -> memref<512xi32, #tpu.memory_space<vmem>>
    %dma_start3A_54 = tpu.memref_slice %arg2[%dma_start3A_47, %mul3A_2] : memref<26x16384xi32, #tpu.memory_space<hbm>> -> memref<1x512xi32, #tpu.memory_space<hbm>>
    %dma_start3A_55 = tpu.memref_squeeze %dma_start3A_54 : memref<1x512xi32, #tpu.memory_space<hbm>> -> memref<512xi32, #tpu.memory_space<hbm>>
    tpu.enqueue_dma source(%dma_start3A_55 : memref<512xi32, #tpu.memory_space<hbm>>) target(%dma_start3A_53 : memref<512xi32, #tpu.memory_space<vmem>>) target_semaphore(%arg12 : memref<!tpu.dma_semaphore, #tpu.memory_space<semaphore_mem>>)
    %dma_start3A_56 = arith.constant 6 : i32
    %dma_start3A_57 = arith.constant 3072 : i32
    %dma_start3A_58 = tpu.memref_slice %arg6[%dma_start3A_57] : memref<13312xi32, #tpu.memory_space<vmem>> -> memref<512xi32, #tpu.memory_space<vmem>>
    %dma_start3A_59 = tpu.memref_slice %arg2[%dma_start3A_56, %mul3A_2] : memref<26x16384xi32, #tpu.memory_space<hbm>> -> memref<1x512xi32, #tpu.memory_space<hbm>>
    %dma_start3A_60 = tpu.memref_squeeze %dma_start3A_59 : memref<1x512xi32, #tpu.memory_space<hbm>> -> memref<512xi32, #tpu.memory_space<hbm>>
    %dma_start3A_61 = arith.constant 3072 : i32
    %dma_start3A_62 = tpu.memref_slice %arg6[%dma_start3A_61] : memref<13312xi32, #tpu.memory_space<vmem>> -> memref<512xi32, #tpu.memory_space<vmem>>
    %dma_start3A_63 = tpu.memref_slice %arg2[%dma_start3A_56, %mul3A_2] : memref<26x16384xi32, #tpu.memory_space<hbm>> -> memref<1x512xi32, #tpu.memory_space<hbm>>
    %dma_start3A_64 = tpu.memref_squeeze %dma_start3A_63 : memref<1x512xi32, #tpu.memory_space<hbm>> -> memref<512xi32, #tpu.memory_space<hbm>>
    tpu.enqueue_dma source(%dma_start3A_64 : memref<512xi32, #tpu.memory_space<hbm>>) target(%dma_start3A_62 : memref<512xi32, #tpu.memory_space<vmem>>) target_semaphore(%arg12 : memref<!tpu.dma_semaphore, #tpu.memory_space<semaphore_mem>>)
    %dma_start3A_65 = arith.constant 7 : i32
    %dma_start3A_66 = arith.constant 3584 : i32
    %dma_start3A_67 = tpu.memref_slice %arg6[%dma_start3A_66] : memref<13312xi32, #tpu.memory_space<vmem>> -> memref<512xi32, #tpu.memory_space<vmem>>
    %dma_start3A_68 = tpu.memref_slice %arg2[%dma_start3A_65, %mul3A_2] : memref<26x16384xi32, #tpu.memory_space<hbm>> -> memref<1x512xi32, #tpu.memory_space<hbm>>
    %dma_start3A_69 = tpu.memref_squeeze %dma_start3A_68 : memref<1x512xi32, #tpu.memory_space<hbm>> -> memref<512xi32, #tpu.memory_space<hbm>>
    %dma_start3A_70 = arith.constant 3584 : i32
    %dma_start3A_71 = tpu.memref_slice %arg6[%dma_start3A_70] : memref<13312xi32, #tpu.memory_space<vmem>> -> memref<512xi32, #tpu.memory_space<vmem>>
    %dma_start3A_72 = tpu.memref_slice %arg2[%dma_start3A_65, %mul3A_2] : memref<26x16384xi32, #tpu.memory_space<hbm>> -> memref<1x512xi32, #tpu.memory_space<hbm>>
    %dma_start3A_73 = tpu.memref_squeeze %dma_start3A_72 : memref<1x512xi32, #tpu.memory_space<hbm>> -> memref<512xi32, #tpu.memory_space<hbm>>
    tpu.enqueue_dma source(%dma_start3A_73 : memref<512xi32, #tpu.memory_space<hbm>>) target(%dma_start3A_71 : memref<512xi32, #tpu.memory_space<vmem>>) target_semaphore(%arg12 : memref<!tpu.dma_semaphore, #tpu.memory_space<semaphore_mem>>)
    %dma_start3A_74 = arith.constant 8 : i32
    %dma_start3A_75 = arith.constant 4096 : i32
    %dma_start3A_76 = tpu.memref_slice %arg6[%dma_start3A_75] : memref<13312xi32, #tpu.memory_space<vmem>> -> memref<512xi32, #tpu.memory_space<vmem>>
    %dma_start3A_77 = tpu.memref_slice %arg2[%dma_start3A_74, %mul3A_2] : memref<26x16384xi32, #tpu.memory_space<hbm>> -> memref<1x512xi32, #tpu.memory_space<hbm>>
    %dma_start3A_78 = tpu.memref_squeeze %dma_start3A_77 : memref<1x512xi32, #tpu.memory_space<hbm>> -> memref<512xi32, #tpu.memory_space<hbm>>
    %dma_start3A_79 = arith.constant 4096 : i32
    %dma_start3A_80 = tpu.memref_slice %arg6[%dma_start3A_79] : memref<13312xi32, #tpu.memory_space<vmem>> -> memref<512xi32, #tpu.memory_space<vmem>>
    %dma_start3A_81 = tpu.memref_slice %arg2[%dma_start3A_74, %mul3A_2] : memref<26x16384xi32, #tpu.memory_space<hbm>> -> memref<1x512xi32, #tpu.memory_space<hbm>>
    %dma_start3A_82 = tpu.memref_squeeze %dma_start3A_81 : memref<1x512xi32, #tpu.memory_space<hbm>> -> memref<512xi32, #tpu.memory_space<hbm>>
    tpu.enqueue_dma source(%dma_start3A_82 : memref<512xi32, #tpu.memory_space<hbm>>) target(%dma_start3A_80 : memref<512xi32, #tpu.memory_space<vmem>>) target_semaphore(%arg12 : memref<!tpu.dma_semaphore, #tpu.memory_space<semaphore_mem>>)
    %dma_start3A_83 = arith.constant 9 : i32
    %dma_start3A_84 = arith.constant 4608 : i32
    %dma_start3A_85 = tpu.memref_slice %arg6[%dma_start3A_84] : memref<13312xi32, #tpu.memory_space<vmem>> -> memref<512xi32, #tpu.memory_space<vmem>>
    %dma_start3A_86 = tpu.memref_slice %arg2[%dma_start3A_83, %mul3A_2] : memref<26x16384xi32, #tpu.memory_space<hbm>> -> memref<1x512xi32, #tpu.memory_space<hbm>>
    %dma_start3A_87 = tpu.memref_squeeze %dma_start3A_86 : memref<1x512xi32, #tpu.memory_space<hbm>> -> memref<512xi32, #tpu.memory_space<hbm>>
    %dma_start3A_88 = arith.constant 4608 : i32
    %dma_start3A_89 = tpu.memref_slice %arg6[%dma_start3A_88] : memref<13312xi32, #tpu.memory_space<vmem>> -> memref<512xi32, #tpu.memory_space<vmem>>
    %dma_start3A_90 = tpu.memref_slice %arg2[%dma_start3A_83, %mul3A_2] : memref<26x16384xi32, #tpu.memory_space<hbm>> -> memref<1x512xi32, #tpu.memory_space<hbm>>
    %dma_start3A_91 = tpu.memref_squeeze %dma_start3A_90 : memref<1x512xi32, #tpu.memory_space<hbm>> -> memref<512xi32, #tpu.memory_space<hbm>>
    tpu.enqueue_dma source(%dma_start3A_91 : memref<512xi32, #tpu.memory_space<hbm>>) target(%dma_start3A_89 : memref<512xi32, #tpu.memory_space<vmem>>) target_semaphore(%arg12 : memref<!tpu.dma_semaphore, #tpu.memory_space<semaphore_mem>>)
    %dma_start3A_92 = arith.constant 10 : i32
    %dma_start3A_93 = arith.constant 5120 : i32
    %dma_start3A_94 = tpu.memref_slice %arg6[%dma_start3A_93] : memref<13312xi32, #tpu.memory_space<vmem>> -> memref<512xi32, #tpu.memory_space<vmem>>
    %dma_start3A_95 = tpu.memref_slice %arg2[%dma_start3A_92, %mul3A_2] : memref<26x16384xi32, #tpu.memory_space<hbm>> -> memref<1x512xi32, #tpu.memory_space<hbm>>
    %dma_start3A_96 = tpu.memref_squeeze %dma_start3A_95 : memref<1x512xi32, #tpu.memory_space<hbm>> -> memref<512xi32, #tpu.memory_space<hbm>>
    %dma_start3A_97 = arith.constant 5120 : i32
    %dma_start3A_98 = tpu.memref_slice %arg6[%dma_start3A_97] : memref<13312xi32, #tpu.memory_space<vmem>> -> memref<512xi32, #tpu.memory_space<vmem>>
    %dma_start3A_99 = tpu.memref_slice %arg2[%dma_start3A_92, %mul3A_2] : memref<26x16384xi32, #tpu.memory_space<hbm>> -> memref<1x512xi32, #tpu.memory_space<hbm>>
    %dma_start3A_100 = tpu.memref_squeeze %dma_start3A_99 : memref<1x512xi32, #tpu.memory_space<hbm>> -> memref<512xi32, #tpu.memory_space<hbm>>
    tpu.enqueue_dma source(%dma_start3A_100 : memref<512xi32, #tpu.memory_space<hbm>>) target(%dma_start3A_98 : memref<512xi32, #tpu.memory_space<vmem>>) target_semaphore(%arg12 : memref<!tpu.dma_semaphore, #tpu.memory_space<semaphore_mem>>)
    %dma_start3A_101 = arith.constant 11 : i32
    %dma_start3A_102 = arith.constant 5632 : i32
    %dma_start3A_103 = tpu.memref_slice %arg6[%dma_start3A_102] : memref<13312xi32, #tpu.memory_space<vmem>> -> memref<512xi32, #tpu.memory_space<vmem>>
    %dma_start3A_104 = tpu.memref_slice %arg2[%dma_start3A_101, %mul3A_2] : memref<26x16384xi32, #tpu.memory_space<hbm>> -> memref<1x512xi32, #tpu.memory_space<hbm>>
    %dma_start3A_105 = tpu.memref_squeeze %dma_start3A_104 : memref<1x512xi32, #tpu.memory_space<hbm>> -> memref<512xi32, #tpu.memory_space<hbm>>
    %dma_start3A_106 = arith.constant 5632 : i32
    %dma_start3A_107 = tpu.memref_slice %arg6[%dma_start3A_106] : memref<13312xi32, #tpu.memory_space<vmem>> -> memref<512xi32, #tpu.memory_space<vmem>>
    %dma_start3A_108 = tpu.memref_slice %arg2[%dma_start3A_101, %mul3A_2] : memref<26x16384xi32, #tpu.memory_space<hbm>> -> memref<1x512xi32, #tpu.memory_space<hbm>>
    %dma_start3A_109 = tpu.memref_squeeze %dma_start3A_108 : memref<1x512xi32, #tpu.memory_space<hbm>> -> memref<512xi32, #tpu.memory_space<hbm>>
    tpu.enqueue_dma source(%dma_start3A_109 : memref<512xi32, #tpu.memory_space<hbm>>) target(%dma_start3A_107 : memref<512xi32, #tpu.memory_space<vmem>>) target_semaphore(%arg12 : memref<!tpu.dma_semaphore, #tpu.memory_space<semaphore_mem>>)
    %dma_start3A_110 = arith.constant 12 : i32
    %dma_start3A_111 = arith.constant 6144 : i32
    %dma_start3A_112 = tpu.memref_slice %arg6[%dma_start3A_111] : memref<13312xi32, #tpu.memory_space<vmem>> -> memref<512xi32, #tpu.memory_space<vmem>>
    %dma_start3A_113 = tpu.memref_slice %arg2[%dma_start3A_110, %mul3A_2] : memref<26x16384xi32, #tpu.memory_space<hbm>> -> memref<1x512xi32, #tpu.memory_space<hbm>>
    %dma_start3A_114 = tpu.memref_squeeze %dma_start3A_113 : memref<1x512xi32, #tpu.memory_space<hbm>> -> memref<512xi32, #tpu.memory_space<hbm>>
    %dma_start3A_115 = arith.constant 6144 : i32
    %dma_start3A_116 = tpu.memref_slice %arg6[%dma_start3A_115] : memref<13312xi32, #tpu.memory_space<vmem>> -> memref<512xi32, #tpu.memory_space<vmem>>
    %dma_start3A_117 = tpu.memref_slice %arg2[%dma_start3A_110, %mul3A_2] : memref<26x16384xi32, #tpu.memory_space<hbm>> -> memref<1x512xi32, #tpu.memory_space<hbm>>
    %dma_start3A_118 = tpu.memref_squeeze %dma_start3A_117 : memref<1x512xi32, #tpu.memory_space<hbm>> -> memref<512xi32, #tpu.memory_space<hbm>>
    tpu.enqueue_dma source(%dma_start3A_118 : memref<512xi32, #tpu.memory_space<hbm>>) target(%dma_start3A_116 : memref<512xi32, #tpu.memory_space<vmem>>) target_semaphore(%arg12 : memref<!tpu.dma_semaphore, #tpu.memory_space<semaphore_mem>>)
    %dma_start3A_119 = arith.constant 13 : i32
    %dma_start3A_120 = arith.constant 6656 : i32
    %dma_start3A_121 = tpu.memref_slice %arg6[%dma_start3A_120] : memref<13312xi32, #tpu.memory_space<vmem>> -> memref<512xi32, #tpu.memory_space<vmem>>
    %dma_start3A_122 = tpu.memref_slice %arg2[%dma_start3A_119, %mul3A_2] : memref<26x16384xi32, #tpu.memory_space<hbm>> -> memref<1x512xi32, #tpu.memory_space<hbm>>
    %dma_start3A_123 = tpu.memref_squeeze %dma_start3A_122 : memref<1x512xi32, #tpu.memory_space<hbm>> -> memref<512xi32, #tpu.memory_space<hbm>>
    %dma_start3A_124 = arith.constant 6656 : i32
    %dma_start3A_125 = tpu.memref_slice %arg6[%dma_start3A_124] : memref<13312xi32, #tpu.memory_space<vmem>> -> memref<512xi32, #tpu.memory_space<vmem>>
    %dma_start3A_126 = tpu.memref_slice %arg2[%dma_start3A_119, %mul3A_2] : memref<26x16384xi32, #tpu.memory_space<hbm>> -> memref<1x512xi32, #tpu.memory_space<hbm>>
    %dma_start3A_127 = tpu.memref_squeeze %dma_start3A_126 : memref<1x512xi32, #tpu.memory_space<hbm>> -> memref<512xi32, #tpu.memory_space<hbm>>
    tpu.enqueue_dma source(%dma_start3A_127 : memref<512xi32, #tpu.memory_space<hbm>>) target(%dma_start3A_125 : memref<512xi32, #tpu.memory_space<vmem>>) target_semaphore(%arg13 : memref<!tpu.dma_semaphore, #tpu.memory_space<semaphore_mem>>)
    %dma_start3A_128 = arith.constant 14 : i32
    %dma_start3A_129 = arith.constant 7168 : i32
    %dma_start3A_130 = tpu.memref_slice %arg6[%dma_start3A_129] : memref<13312xi32, #tpu.memory_space<vmem>> -> memref<512xi32, #tpu.memory_space<vmem>>
    %dma_start3A_131 = tpu.memref_slice %arg2[%dma_start3A_128, %mul3A_2] : memref<26x16384xi32, #tpu.memory_space<hbm>> -> memref<1x512xi32, #tpu.memory_space<hbm>>
    %dma_start3A_132 = tpu.memref_squeeze %dma_start3A_131 : memref<1x512xi32, #tpu.memory_space<hbm>> -> memref<512xi32, #tpu.memory_space<hbm>>
    %dma_start3A_133 = arith.constant 7168 : i32
    %dma_start3A_134 = tpu.memref_slice %arg6[%dma_start3A_133] : memref<13312xi32, #tpu.memory_space<vmem>> -> memref<512xi32, #tpu.memory_space<vmem>>
    %dma_start3A_135 = tpu.memref_slice %arg2[%dma_start3A_128, %mul3A_2] : memref<26x16384xi32, #tpu.memory_space<hbm>> -> memref<1x512xi32, #tpu.memory_space<hbm>>
    %dma_start3A_136 = tpu.memref_squeeze %dma_start3A_135 : memref<1x512xi32, #tpu.memory_space<hbm>> -> memref<512xi32, #tpu.memory_space<hbm>>
    tpu.enqueue_dma source(%dma_start3A_136 : memref<512xi32, #tpu.memory_space<hbm>>) target(%dma_start3A_134 : memref<512xi32, #tpu.memory_space<vmem>>) target_semaphore(%arg13 : memref<!tpu.dma_semaphore, #tpu.memory_space<semaphore_mem>>)
    %dma_start3A_137 = arith.constant 15 : i32
    %dma_start3A_138 = arith.constant 7680 : i32
    %dma_start3A_139 = tpu.memref_slice %arg6[%dma_start3A_138] : memref<13312xi32, #tpu.memory_space<vmem>> -> memref<512xi32, #tpu.memory_space<vmem>>
    %dma_start3A_140 = tpu.memref_slice %arg2[%dma_start3A_137, %mul3A_2] : memref<26x16384xi32, #tpu.memory_space<hbm>> -> memref<1x512xi32, #tpu.memory_space<hbm>>
    %dma_start3A_141 = tpu.memref_squeeze %dma_start3A_140 : memref<1x512xi32, #tpu.memory_space<hbm>> -> memref<512xi32, #tpu.memory_space<hbm>>
    %dma_start3A_142 = arith.constant 7680 : i32
    %dma_start3A_143 = tpu.memref_slice %arg6[%dma_start3A_142] : memref<13312xi32, #tpu.memory_space<vmem>> -> memref<512xi32, #tpu.memory_space<vmem>>
    %dma_start3A_144 = tpu.memref_slice %arg2[%dma_start3A_137, %mul3A_2] : memref<26x16384xi32, #tpu.memory_space<hbm>> -> memref<1x512xi32, #tpu.memory_space<hbm>>
    %dma_start3A_145 = tpu.memref_squeeze %dma_start3A_144 : memref<1x512xi32, #tpu.memory_space<hbm>> -> memref<512xi32, #tpu.memory_space<hbm>>
    tpu.enqueue_dma source(%dma_start3A_145 : memref<512xi32, #tpu.memory_space<hbm>>) target(%dma_start3A_143 : memref<512xi32, #tpu.memory_space<vmem>>) target_semaphore(%arg13 : memref<!tpu.dma_semaphore, #tpu.memory_space<semaphore_mem>>)
    %dma_start3A_146 = arith.constant 16 : i32
    %dma_start3A_147 = arith.constant 8192 : i32
    %dma_start3A_148 = tpu.memref_slice %arg6[%dma_start3A_147] : memref<13312xi32, #tpu.memory_space<vmem>> -> memref<512xi32, #tpu.memory_space<vmem>>
    %dma_start3A_149 = tpu.memref_slice %arg2[%dma_start3A_146, %mul3A_2] : memref<26x16384xi32, #tpu.memory_space<hbm>> -> memref<1x512xi32, #tpu.memory_space<hbm>>
    %dma_start3A_150 = tpu.memref_squeeze %dma_start3A_149 : memref<1x512xi32, #tpu.memory_space<hbm>> -> memref<512xi32, #tpu.memory_space<hbm>>
    %dma_start3A_151 = arith.constant 8192 : i32
    %dma_start3A_152 = tpu.memref_slice %arg6[%dma_start3A_151] : memref<13312xi32, #tpu.memory_space<vmem>> -> memref<512xi32, #tpu.memory_space<vmem>>
    %dma_start3A_153 = tpu.memref_slice %arg2[%dma_start3A_146, %mul3A_2] : memref<26x16384xi32, #tpu.memory_space<hbm>> -> memref<1x512xi32, #tpu.memory_space<hbm>>
    %dma_start3A_154 = tpu.memref_squeeze %dma_start3A_153 : memref<1x512xi32, #tpu.memory_space<hbm>> -> memref<512xi32, #tpu.memory_space<hbm>>
    tpu.enqueue_dma source(%dma_start3A_154 : memref<512xi32, #tpu.memory_space<hbm>>) target(%dma_start3A_152 : memref<512xi32, #tpu.memory_space<vmem>>) target_semaphore(%arg13 : memref<!tpu.dma_semaphore, #tpu.memory_space<semaphore_mem>>)
    %dma_start3A_155 = arith.constant 17 : i32
    %dma_start3A_156 = arith.constant 8704 : i32
    %dma_start3A_157 = tpu.memref_slice %arg6[%dma_start3A_156] : memref<13312xi32, #tpu.memory_space<vmem>> -> memref<512xi32, #tpu.memory_space<vmem>>
    %dma_start3A_158 = tpu.memref_slice %arg2[%dma_start3A_155, %mul3A_2] : memref<26x16384xi32, #tpu.memory_space<hbm>> -> memref<1x512xi32, #tpu.memory_space<hbm>>
    %dma_start3A_159 = tpu.memref_squeeze %dma_start3A_158 : memref<1x512xi32, #tpu.memory_space<hbm>> -> memref<512xi32, #tpu.memory_space<hbm>>
    %dma_start3A_160 = arith.constant 8704 : i32
    %dma_start3A_161 = tpu.memref_slice %arg6[%dma_start3A_160] : memref<13312xi32, #tpu.memory_space<vmem>> -> memref<512xi32, #tpu.memory_space<vmem>>
    %dma_start3A_162 = tpu.memref_slice %arg2[%dma_start3A_155, %mul3A_2] : memref<26x16384xi32, #tpu.memory_space<hbm>> -> memref<1x512xi32, #tpu.memory_space<hbm>>
    %dma_start3A_163 = tpu.memref_squeeze %dma_start3A_162 : memref<1x512xi32, #tpu.memory_space<hbm>> -> memref<512xi32, #tpu.memory_space<hbm>>
    tpu.enqueue_dma source(%dma_start3A_163 : memref<512xi32, #tpu.memory_space<hbm>>) target(%dma_start3A_161 : memref<512xi32, #tpu.memory_space<vmem>>) target_semaphore(%arg13 : memref<!tpu.dma_semaphore, #tpu.memory_space<semaphore_mem>>)
    %dma_start3A_164 = arith.constant 18 : i32
    %dma_start3A_165 = arith.constant 9216 : i32
    %dma_start3A_166 = tpu.memref_slice %arg6[%dma_start3A_165] : memref<13312xi32, #tpu.memory_space<vmem>> -> memref<512xi32, #tpu.memory_space<vmem>>
    %dma_start3A_167 = tpu.memref_slice %arg2[%dma_start3A_164, %mul3A_2] : memref<26x16384xi32, #tpu.memory_space<hbm>> -> memref<1x512xi32, #tpu.memory_space<hbm>>
    %dma_start3A_168 = tpu.memref_squeeze %dma_start3A_167 : memref<1x512xi32, #tpu.memory_space<hbm>> -> memref<512xi32, #tpu.memory_space<hbm>>
    %dma_start3A_169 = arith.constant 9216 : i32
    %dma_start3A_170 = tpu.memref_slice %arg6[%dma_start3A_169] : memref<13312xi32, #tpu.memory_space<vmem>> -> memref<512xi32, #tpu.memory_space<vmem>>
    %dma_start3A_171 = tpu.memref_slice %arg2[%dma_start3A_164, %mul3A_2] : memref<26x16384xi32, #tpu.memory_space<hbm>> -> memref<1x512xi32, #tpu.memory_space<hbm>>
    %dma_start3A_172 = tpu.memref_squeeze %dma_start3A_171 : memref<1x512xi32, #tpu.memory_space<hbm>> -> memref<512xi32, #tpu.memory_space<hbm>>
    tpu.enqueue_dma source(%dma_start3A_172 : memref<512xi32, #tpu.memory_space<hbm>>) target(%dma_start3A_170 : memref<512xi32, #tpu.memory_space<vmem>>) target_semaphore(%arg13 : memref<!tpu.dma_semaphore, #tpu.memory_space<semaphore_mem>>)
    %dma_start3A_173 = arith.constant 19 : i32
    %dma_start3A_174 = arith.constant 9728 : i32
    %dma_start3A_175 = tpu.memref_slice %arg6[%dma_start3A_174] : memref<13312xi32, #tpu.memory_space<vmem>> -> memref<512xi32, #tpu.memory_space<vmem>>
    %dma_start3A_176 = tpu.memref_slice %arg2[%dma_start3A_173, %mul3A_2] : memref<26x16384xi32, #tpu.memory_space<hbm>> -> memref<1x512xi32, #tpu.memory_space<hbm>>
    %dma_start3A_177 = tpu.memref_squeeze %dma_start3A_176 : memref<1x512xi32, #tpu.memory_space<hbm>> -> memref<512xi32, #tpu.memory_space<hbm>>
    %dma_start3A_178 = arith.constant 9728 : i32
    %dma_start3A_179 = tpu.memref_slice %arg6[%dma_start3A_178] : memref<13312xi32, #tpu.memory_space<vmem>> -> memref<512xi32, #tpu.memory_space<vmem>>
    %dma_start3A_180 = tpu.memref_slice %arg2[%dma_start3A_173, %mul3A_2] : memref<26x16384xi32, #tpu.memory_space<hbm>> -> memref<1x512xi32, #tpu.memory_space<hbm>>
    %dma_start3A_181 = tpu.memref_squeeze %dma_start3A_180 : memref<1x512xi32, #tpu.memory_space<hbm>> -> memref<512xi32, #tpu.memory_space<hbm>>
    tpu.enqueue_dma source(%dma_start3A_181 : memref<512xi32, #tpu.memory_space<hbm>>) target(%dma_start3A_179 : memref<512xi32, #tpu.memory_space<vmem>>) target_semaphore(%arg13 : memref<!tpu.dma_semaphore, #tpu.memory_space<semaphore_mem>>)
    %dma_start3A_182 = arith.constant 20 : i32
    %dma_start3A_183 = arith.constant 10240 : i32
    %dma_start3A_184 = tpu.memref_slice %arg6[%dma_start3A_183] : memref<13312xi32, #tpu.memory_space<vmem>> -> memref<512xi32, #tpu.memory_space<vmem>>
    %dma_start3A_185 = tpu.memref_slice %arg2[%dma_start3A_182, %mul3A_2] : memref<26x16384xi32, #tpu.memory_space<hbm>> -> memref<1x512xi32, #tpu.memory_space<hbm>>
    %dma_start3A_186 = tpu.memref_squeeze %dma_start3A_185 : memref<1x512xi32, #tpu.memory_space<hbm>> -> memref<512xi32, #tpu.memory_space<hbm>>
    %dma_start3A_187 = arith.constant 10240 : i32
    %dma_start3A_188 = tpu.memref_slice %arg6[%dma_start3A_187] : memref<13312xi32, #tpu.memory_space<vmem>> -> memref<512xi32, #tpu.memory_space<vmem>>
    %dma_start3A_189 = tpu.memref_slice %arg2[%dma_start3A_182, %mul3A_2] : memref<26x16384xi32, #tpu.memory_space<hbm>> -> memref<1x512xi32, #tpu.memory_space<hbm>>
    %dma_start3A_190 = tpu.memref_squeeze %dma_start3A_189 : memref<1x512xi32, #tpu.memory_space<hbm>> -> memref<512xi32, #tpu.memory_space<hbm>>
    tpu.enqueue_dma source(%dma_start3A_190 : memref<512xi32, #tpu.memory_space<hbm>>) target(%dma_start3A_188 : memref<512xi32, #tpu.memory_space<vmem>>) target_semaphore(%arg13 : memref<!tpu.dma_semaphore, #tpu.memory_space<semaphore_mem>>)
    %dma_start3A_191 = arith.constant 21 : i32
    %dma_start3A_192 = arith.constant 10752 : i32
    %dma_start3A_193 = tpu.memref_slice %arg6[%dma_start3A_192] : memref<13312xi32, #tpu.memory_space<vmem>> -> memref<512xi32, #tpu.memory_space<vmem>>
    %dma_start3A_194 = tpu.memref_slice %arg2[%dma_start3A_191, %mul3A_2] : memref<26x16384xi32, #tpu.memory_space<hbm>> -> memref<1x512xi32, #tpu.memory_space<hbm>>
    %dma_start3A_195 = tpu.memref_squeeze %dma_start3A_194 : memref<1x512xi32, #tpu.memory_space<hbm>> -> memref<512xi32, #tpu.memory_space<hbm>>
    %dma_start3A_196 = arith.constant 10752 : i32
    %dma_start3A_197 = tpu.memref_slice %arg6[%dma_start3A_196] : memref<13312xi32, #tpu.memory_space<vmem>> -> memref<512xi32, #tpu.memory_space<vmem>>
    %dma_start3A_198 = tpu.memref_slice %arg2[%dma_start3A_191, %mul3A_2] : memref<26x16384xi32, #tpu.memory_space<hbm>> -> memref<1x512xi32, #tpu.memory_space<hbm>>
    %dma_start3A_199 = tpu.memref_squeeze %dma_start3A_198 : memref<1x512xi32, #tpu.memory_space<hbm>> -> memref<512xi32, #tpu.memory_space<hbm>>
    tpu.enqueue_dma source(%dma_start3A_199 : memref<512xi32, #tpu.memory_space<hbm>>) target(%dma_start3A_197 : memref<512xi32, #tpu.memory_space<vmem>>) target_semaphore(%arg13 : memref<!tpu.dma_semaphore, #tpu.memory_space<semaphore_mem>>)
    %dma_start3A_200 = arith.constant 22 : i32
    %dma_start3A_201 = arith.constant 11264 : i32
    %dma_start3A_202 = tpu.memref_slice %arg6[%dma_start3A_201] : memref<13312xi32, #tpu.memory_space<vmem>> -> memref<512xi32, #tpu.memory_space<vmem>>
    %dma_start3A_203 = tpu.memref_slice %arg2[%dma_start3A_200, %mul3A_2] : memref<26x16384xi32, #tpu.memory_space<hbm>> -> memref<1x512xi32, #tpu.memory_space<hbm>>
    %dma_start3A_204 = tpu.memref_squeeze %dma_start3A_203 : memref<1x512xi32, #tpu.memory_space<hbm>> -> memref<512xi32, #tpu.memory_space<hbm>>
    %dma_start3A_205 = arith.constant 11264 : i32
    %dma_start3A_206 = tpu.memref_slice %arg6[%dma_start3A_205] : memref<13312xi32, #tpu.memory_space<vmem>> -> memref<512xi32, #tpu.memory_space<vmem>>
    %dma_start3A_207 = tpu.memref_slice %arg2[%dma_start3A_200, %mul3A_2] : memref<26x16384xi32, #tpu.memory_space<hbm>> -> memref<1x512xi32, #tpu.memory_space<hbm>>
    %dma_start3A_208 = tpu.memref_squeeze %dma_start3A_207 : memref<1x512xi32, #tpu.memory_space<hbm>> -> memref<512xi32, #tpu.memory_space<hbm>>
    tpu.enqueue_dma source(%dma_start3A_208 : memref<512xi32, #tpu.memory_space<hbm>>) target(%dma_start3A_206 : memref<512xi32, #tpu.memory_space<vmem>>) target_semaphore(%arg13 : memref<!tpu.dma_semaphore, #tpu.memory_space<semaphore_mem>>)
    %dma_start3A_209 = arith.constant 23 : i32
    %dma_start3A_210 = arith.constant 11776 : i32
    %dma_start3A_211 = tpu.memref_slice %arg6[%dma_start3A_210] : memref<13312xi32, #tpu.memory_space<vmem>> -> memref<512xi32, #tpu.memory_space<vmem>>
    %dma_start3A_212 = tpu.memref_slice %arg2[%dma_start3A_209, %mul3A_2] : memref<26x16384xi32, #tpu.memory_space<hbm>> -> memref<1x512xi32, #tpu.memory_space<hbm>>
    %dma_start3A_213 = tpu.memref_squeeze %dma_start3A_212 : memref<1x512xi32, #tpu.memory_space<hbm>> -> memref<512xi32, #tpu.memory_space<hbm>>
    %dma_start3A_214 = arith.constant 11776 : i32
    %dma_start3A_215 = tpu.memref_slice %arg6[%dma_start3A_214] : memref<13312xi32, #tpu.memory_space<vmem>> -> memref<512xi32, #tpu.memory_space<vmem>>
    %dma_start3A_216 = tpu.memref_slice %arg2[%dma_start3A_209, %mul3A_2] : memref<26x16384xi32, #tpu.memory_space<hbm>> -> memref<1x512xi32, #tpu.memory_space<hbm>>
    %dma_start3A_217 = tpu.memref_squeeze %dma_start3A_216 : memref<1x512xi32, #tpu.memory_space<hbm>> -> memref<512xi32, #tpu.memory_space<hbm>>
    tpu.enqueue_dma source(%dma_start3A_217 : memref<512xi32, #tpu.memory_space<hbm>>) target(%dma_start3A_215 : memref<512xi32, #tpu.memory_space<vmem>>) target_semaphore(%arg13 : memref<!tpu.dma_semaphore, #tpu.memory_space<semaphore_mem>>)
    %dma_start3A_218 = arith.constant 24 : i32
    %dma_start3A_219 = arith.constant 12288 : i32
    %dma_start3A_220 = tpu.memref_slice %arg6[%dma_start3A_219] : memref<13312xi32, #tpu.memory_space<vmem>> -> memref<512xi32, #tpu.memory_space<vmem>>
    %dma_start3A_221 = tpu.memref_slice %arg2[%dma_start3A_218, %mul3A_2] : memref<26x16384xi32, #tpu.memory_space<hbm>> -> memref<1x512xi32, #tpu.memory_space<hbm>>
    %dma_start3A_222 = tpu.memref_squeeze %dma_start3A_221 : memref<1x512xi32, #tpu.memory_space<hbm>> -> memref<512xi32, #tpu.memory_space<hbm>>
    %dma_start3A_223 = arith.constant 12288 : i32
    %dma_start3A_224 = tpu.memref_slice %arg6[%dma_start3A_223] : memref<13312xi32, #tpu.memory_space<vmem>> -> memref<512xi32, #tpu.memory_space<vmem>>
    %dma_start3A_225 = tpu.memref_slice %arg2[%dma_start3A_218, %mul3A_2] : memref<26x16384xi32, #tpu.memory_space<hbm>> -> memref<1x512xi32, #tpu.memory_space<hbm>>
    %dma_start3A_226 = tpu.memref_squeeze %dma_start3A_225 : memref<1x512xi32, #tpu.memory_space<hbm>> -> memref<512xi32, #tpu.memory_space<hbm>>
    tpu.enqueue_dma source(%dma_start3A_226 : memref<512xi32, #tpu.memory_space<hbm>>) target(%dma_start3A_224 : memref<512xi32, #tpu.memory_space<vmem>>) target_semaphore(%arg13 : memref<!tpu.dma_semaphore, #tpu.memory_space<semaphore_mem>>)
    %dma_start3A_227 = arith.constant 25 : i32
    %dma_start3A_228 = arith.constant 12800 : i32
    %dma_start3A_229 = tpu.memref_slice %arg6[%dma_start3A_228] : memref<13312xi32, #tpu.memory_space<vmem>> -> memref<512xi32, #tpu.memory_space<vmem>>
    %dma_start3A_230 = tpu.memref_slice %arg2[%dma_start3A_227, %mul3A_2] : memref<26x16384xi32, #tpu.memory_space<hbm>> -> memref<1x512xi32, #tpu.memory_space<hbm>>
    %dma_start3A_231 = tpu.memref_squeeze %dma_start3A_230 : memref<1x512xi32, #tpu.memory_space<hbm>> -> memref<512xi32, #tpu.memory_space<hbm>>
    %dma_start3A_232 = arith.constant 12800 : i32
    %dma_start3A_233 = tpu.memref_slice %arg6[%dma_start3A_232] : memref<13312xi32, #tpu.memory_space<vmem>> -> memref<512xi32, #tpu.memory_space<vmem>>
    %dma_start3A_234 = tpu.memref_slice %arg2[%dma_start3A_227, %mul3A_2] : memref<26x16384xi32, #tpu.memory_space<hbm>> -> memref<1x512xi32, #tpu.memory_space<hbm>>
    %dma_start3A_235 = tpu.memref_squeeze %dma_start3A_234 : memref<1x512xi32, #tpu.memory_space<hbm>> -> memref<512xi32, #tpu.memory_space<hbm>>
    tpu.enqueue_dma source(%dma_start3A_235 : memref<512xi32, #tpu.memory_space<hbm>>) target(%dma_start3A_233 : memref<512xi32, #tpu.memory_space<vmem>>) target_semaphore(%arg13 : memref<!tpu.dma_semaphore, #tpu.memory_space<semaphore_mem>>)
    "tpu.region"() ({
      %run_scoped3A = tpu.sem_alloc : memref<!tpu.dma_semaphore, #tpu.memory_space<semaphore_mem>>
      %dma_start3A_528 = arith.constant 0 : i32
      %dma_start3A_529 = tpu.memref_slice %arg9[%dma_start3A_528] : memref<128xf32, #tpu.memory_space<vmem>> -> memref<1xf32, #tpu.memory_space<vmem>>
      %dma_start3A_530 = arith.constant 0 : i32
      %dma_start3A_531 = tpu.memref_slice %arg9[%dma_start3A_530] : memref<128xf32, #tpu.memory_space<vmem>> -> memref<1xf32, #tpu.memory_space<vmem>>
      tpu.enqueue_dma source(%arg4 : memref<1xf32, #tpu.memory_space<hbm>>) target(%dma_start3A_531 : memref<1xf32, #tpu.memory_space<vmem>>) target_semaphore(%run_scoped3A : memref<!tpu.dma_semaphore, #tpu.memory_space<semaphore_mem>>)
      %dma_wait3A_532 = arith.constant 0 : i32
      %dma_wait3A_533 = tpu.memref_slice %arg9[%dma_wait3A_532] : memref<128xf32, #tpu.memory_space<vmem>> -> memref<1xf32, #tpu.memory_space<vmem>>
      %dma_wait3A_534 = arith.constant 0 : i32
      %dma_wait3A_535 = tpu.memref_slice %arg9[%dma_wait3A_534] : memref<128xf32, #tpu.memory_space<vmem>> -> memref<1xf32, #tpu.memory_space<vmem>>
      tpu.wait_dma2 semaphore(%run_scoped3A : memref<!tpu.dma_semaphore, #tpu.memory_space<semaphore_mem>>) src(%arg4 : memref<1xf32, #tpu.memory_space<hbm>>) dst(%dma_wait3A_535 : memref<1xf32, #tpu.memory_space<vmem>>)
      tpu.yield
    }) : () -> ()
    %eq3A = arith.constant 0 : i32
    %eq3A_236 = arith.cmpi eq, %arg1, %eq3A : i32
    %convert_element_type3A = arith.extui %eq3A_236 : i1 to i32
    %cond3A = arith.constant 0 : i32
    %cond3A_237 = arith.cmpi ne, %convert_element_type3A, %cond3A : i32
    scf.if %cond3A_237 {
      tpu.enqueue_dma source(%arg3 : memref<1x1000000xf32, #tpu.memory_space<hbm>>) target(%arg10 : memref<1x1000000xf32, #tpu.memory_space<vmem_shared>>) target_semaphore(%arg14 : memref<!tpu.dma_semaphore, #tpu.memory_space<semaphore_mem>>)
    } else {
    }
    %dma_wait3A = arith.constant 0 : i32
    %dma_wait3A_238 = arith.constant 0 : i32
    %dma_wait3A_239 = tpu.memref_slice %arg6[%dma_wait3A_238] : memref<13312xi32, #tpu.memory_space<vmem>> -> memref<512xi32, #tpu.memory_space<vmem>>
    %dma_wait3A_240 = tpu.memref_slice %arg2[%dma_wait3A, %mul3A_2] : memref<26x16384xi32, #tpu.memory_space<hbm>> -> memref<1x512xi32, #tpu.memory_space<hbm>>
    %dma_wait3A_241 = tpu.memref_squeeze %dma_wait3A_240 : memref<1x512xi32, #tpu.memory_space<hbm>> -> memref<512xi32, #tpu.memory_space<hbm>>
    %dma_wait3A_242 = arith.constant 0 : i32
    %dma_wait3A_243 = tpu.memref_slice %arg6[%dma_wait3A_242] : memref<13312xi32, #tpu.memory_space<vmem>> -> memref<512xi32, #tpu.memory_space<vmem>>
    %dma_wait3A_244 = tpu.memref_slice %arg2[%dma_wait3A, %mul3A_2] : memref<26x16384xi32, #tpu.memory_space<hbm>> -> memref<1x512xi32, #tpu.memory_space<hbm>>
    %dma_wait3A_245 = tpu.memref_squeeze %dma_wait3A_244 : memref<1x512xi32, #tpu.memory_space<hbm>> -> memref<512xi32, #tpu.memory_space<hbm>>
    tpu.wait_dma2 semaphore(%arg12 : memref<!tpu.dma_semaphore, #tpu.memory_space<semaphore_mem>>) src(%dma_wait3A_245 : memref<512xi32, #tpu.memory_space<hbm>>) dst(%dma_wait3A_243 : memref<512xi32, #tpu.memory_space<vmem>>)
    %dma_wait3A_246 = arith.constant 1 : i32
    %dma_wait3A_247 = arith.constant 512 : i32
    %dma_wait3A_248 = tpu.memref_slice %arg6[%dma_wait3A_247] : memref<13312xi32, #tpu.memory_space<vmem>> -> memref<512xi32, #tpu.memory_space<vmem>>
    %dma_wait3A_249 = tpu.memref_slice %arg2[%dma_wait3A_246, %mul3A_2] : memref<26x16384xi32, #tpu.memory_space<hbm>> -> memref<1x512xi32, #tpu.memory_space<hbm>>
    %dma_wait3A_250 = tpu.memref_squeeze %dma_wait3A_249 : memref<1x512xi32, #tpu.memory_space<hbm>> -> memref<512xi32, #tpu.memory_space<hbm>>
    %dma_wait3A_251 = arith.constant 512 : i32
    %dma_wait3A_252 = tpu.memref_slice %arg6[%dma_wait3A_251] : memref<13312xi32, #tpu.memory_space<vmem>> -> memref<512xi32, #tpu.memory_space<vmem>>
    %dma_wait3A_253 = tpu.memref_slice %arg2[%dma_wait3A_246, %mul3A_2] : memref<26x16384xi32, #tpu.memory_space<hbm>> -> memref<1x512xi32, #tpu.memory_space<hbm>>
    %dma_wait3A_254 = tpu.memref_squeeze %dma_wait3A_253 : memref<1x512xi32, #tpu.memory_space<hbm>> -> memref<512xi32, #tpu.memory_space<hbm>>
    tpu.wait_dma2 semaphore(%arg12 : memref<!tpu.dma_semaphore, #tpu.memory_space<semaphore_mem>>) src(%dma_wait3A_254 : memref<512xi32, #tpu.memory_space<hbm>>) dst(%dma_wait3A_252 : memref<512xi32, #tpu.memory_space<vmem>>)
    %dma_wait3A_255 = arith.constant 2 : i32
    %dma_wait3A_256 = arith.constant 1024 : i32
    %dma_wait3A_257 = tpu.memref_slice %arg6[%dma_wait3A_256] : memref<13312xi32, #tpu.memory_space<vmem>> -> memref<512xi32, #tpu.memory_space<vmem>>
    %dma_wait3A_258 = tpu.memref_slice %arg2[%dma_wait3A_255, %mul3A_2] : memref<26x16384xi32, #tpu.memory_space<hbm>> -> memref<1x512xi32, #tpu.memory_space<hbm>>
    %dma_wait3A_259 = tpu.memref_squeeze %dma_wait3A_258 : memref<1x512xi32, #tpu.memory_space<hbm>> -> memref<512xi32, #tpu.memory_space<hbm>>
    %dma_wait3A_260 = arith.constant 1024 : i32
    %dma_wait3A_261 = tpu.memref_slice %arg6[%dma_wait3A_260] : memref<13312xi32, #tpu.memory_space<vmem>> -> memref<512xi32, #tpu.memory_space<vmem>>
    %dma_wait3A_262 = tpu.memref_slice %arg2[%dma_wait3A_255, %mul3A_2] : memref<26x16384xi32, #tpu.memory_space<hbm>> -> memref<1x512xi32, #tpu.memory_space<hbm>>
    %dma_wait3A_263 = tpu.memref_squeeze %dma_wait3A_262 : memref<1x512xi32, #tpu.memory_space<hbm>> -> memref<512xi32, #tpu.memory_space<hbm>>
    tpu.wait_dma2 semaphore(%arg12 : memref<!tpu.dma_semaphore, #tpu.memory_space<semaphore_mem>>) src(%dma_wait3A_263 : memref<512xi32, #tpu.memory_space<hbm>>) dst(%dma_wait3A_261 : memref<512xi32, #tpu.memory_space<vmem>>)
    %dma_wait3A_264 = arith.constant 3 : i32
    %dma_wait3A_265 = arith.constant 1536 : i32
    %dma_wait3A_266 = tpu.memref_slice %arg6[%dma_wait3A_265] : memref<13312xi32, #tpu.memory_space<vmem>> -> memref<512xi32, #tpu.memory_space<vmem>>
    %dma_wait3A_267 = tpu.memref_slice %arg2[%dma_wait3A_264, %mul3A_2] : memref<26x16384xi32, #tpu.memory_space<hbm>> -> memref<1x512xi32, #tpu.memory_space<hbm>>
    %dma_wait3A_268 = tpu.memref_squeeze %dma_wait3A_267 : memref<1x512xi32, #tpu.memory_space<hbm>> -> memref<512xi32, #tpu.memory_space<hbm>>
    %dma_wait3A_269 = arith.constant 1536 : i32
    %dma_wait3A_270 = tpu.memref_slice %arg6[%dma_wait3A_269] : memref<13312xi32, #tpu.memory_space<vmem>> -> memref<512xi32, #tpu.memory_space<vmem>>
    %dma_wait3A_271 = tpu.memref_slice %arg2[%dma_wait3A_264, %mul3A_2] : memref<26x16384xi32, #tpu.memory_space<hbm>> -> memref<1x512xi32, #tpu.memory_space<hbm>>
    %dma_wait3A_272 = tpu.memref_squeeze %dma_wait3A_271 : memref<1x512xi32, #tpu.memory_space<hbm>> -> memref<512xi32, #tpu.memory_space<hbm>>
    tpu.wait_dma2 semaphore(%arg12 : memref<!tpu.dma_semaphore, #tpu.memory_space<semaphore_mem>>) src(%dma_wait3A_272 : memref<512xi32, #tpu.memory_space<hbm>>) dst(%dma_wait3A_270 : memref<512xi32, #tpu.memory_space<vmem>>)
    %dma_wait3A_273 = arith.constant 4 : i32
    %dma_wait3A_274 = arith.constant 2048 : i32
    %dma_wait3A_275 = tpu.memref_slice %arg6[%dma_wait3A_274] : memref<13312xi32, #tpu.memory_space<vmem>> -> memref<512xi32, #tpu.memory_space<vmem>>
    %dma_wait3A_276 = tpu.memref_slice %arg2[%dma_wait3A_273, %mul3A_2] : memref<26x16384xi32, #tpu.memory_space<hbm>> -> memref<1x512xi32, #tpu.memory_space<hbm>>
    %dma_wait3A_277 = tpu.memref_squeeze %dma_wait3A_276 : memref<1x512xi32, #tpu.memory_space<hbm>> -> memref<512xi32, #tpu.memory_space<hbm>>
    %dma_wait3A_278 = arith.constant 2048 : i32
    %dma_wait3A_279 = tpu.memref_slice %arg6[%dma_wait3A_278] : memref<13312xi32, #tpu.memory_space<vmem>> -> memref<512xi32, #tpu.memory_space<vmem>>
    %dma_wait3A_280 = tpu.memref_slice %arg2[%dma_wait3A_273, %mul3A_2] : memref<26x16384xi32, #tpu.memory_space<hbm>> -> memref<1x512xi32, #tpu.memory_space<hbm>>
    %dma_wait3A_281 = tpu.memref_squeeze %dma_wait3A_280 : memref<1x512xi32, #tpu.memory_space<hbm>> -> memref<512xi32, #tpu.memory_space<hbm>>
    tpu.wait_dma2 semaphore(%arg12 : memref<!tpu.dma_semaphore, #tpu.memory_space<semaphore_mem>>) src(%dma_wait3A_281 : memref<512xi32, #tpu.memory_space<hbm>>) dst(%dma_wait3A_279 : memref<512xi32, #tpu.memory_space<vmem>>)
    %dma_wait3A_282 = arith.constant 5 : i32
    %dma_wait3A_283 = arith.constant 2560 : i32
    %dma_wait3A_284 = tpu.memref_slice %arg6[%dma_wait3A_283] : memref<13312xi32, #tpu.memory_space<vmem>> -> memref<512xi32, #tpu.memory_space<vmem>>
    %dma_wait3A_285 = tpu.memref_slice %arg2[%dma_wait3A_282, %mul3A_2] : memref<26x16384xi32, #tpu.memory_space<hbm>> -> memref<1x512xi32, #tpu.memory_space<hbm>>
    %dma_wait3A_286 = tpu.memref_squeeze %dma_wait3A_285 : memref<1x512xi32, #tpu.memory_space<hbm>> -> memref<512xi32, #tpu.memory_space<hbm>>
    %dma_wait3A_287 = arith.constant 2560 : i32
    %dma_wait3A_288 = tpu.memref_slice %arg6[%dma_wait3A_287] : memref<13312xi32, #tpu.memory_space<vmem>> -> memref<512xi32, #tpu.memory_space<vmem>>
    %dma_wait3A_289 = tpu.memref_slice %arg2[%dma_wait3A_282, %mul3A_2] : memref<26x16384xi32, #tpu.memory_space<hbm>> -> memref<1x512xi32, #tpu.memory_space<hbm>>
    %dma_wait3A_290 = tpu.memref_squeeze %dma_wait3A_289 : memref<1x512xi32, #tpu.memory_space<hbm>> -> memref<512xi32, #tpu.memory_space<hbm>>
    tpu.wait_dma2 semaphore(%arg12 : memref<!tpu.dma_semaphore, #tpu.memory_space<semaphore_mem>>) src(%dma_wait3A_290 : memref<512xi32, #tpu.memory_space<hbm>>) dst(%dma_wait3A_288 : memref<512xi32, #tpu.memory_space<vmem>>)
    %dma_wait3A_291 = arith.constant 6 : i32
    %dma_wait3A_292 = arith.constant 3072 : i32
    %dma_wait3A_293 = tpu.memref_slice %arg6[%dma_wait3A_292] : memref<13312xi32, #tpu.memory_space<vmem>> -> memref<512xi32, #tpu.memory_space<vmem>>
    %dma_wait3A_294 = tpu.memref_slice %arg2[%dma_wait3A_291, %mul3A_2] : memref<26x16384xi32, #tpu.memory_space<hbm>> -> memref<1x512xi32, #tpu.memory_space<hbm>>
    %dma_wait3A_295 = tpu.memref_squeeze %dma_wait3A_294 : memref<1x512xi32, #tpu.memory_space<hbm>> -> memref<512xi32, #tpu.memory_space<hbm>>
    %dma_wait3A_296 = arith.constant 3072 : i32
    %dma_wait3A_297 = tpu.memref_slice %arg6[%dma_wait3A_296] : memref<13312xi32, #tpu.memory_space<vmem>> -> memref<512xi32, #tpu.memory_space<vmem>>
    %dma_wait3A_298 = tpu.memref_slice %arg2[%dma_wait3A_291, %mul3A_2] : memref<26x16384xi32, #tpu.memory_space<hbm>> -> memref<1x512xi32, #tpu.memory_space<hbm>>
    %dma_wait3A_299 = tpu.memref_squeeze %dma_wait3A_298 : memref<1x512xi32, #tpu.memory_space<hbm>> -> memref<512xi32, #tpu.memory_space<hbm>>
    tpu.wait_dma2 semaphore(%arg12 : memref<!tpu.dma_semaphore, #tpu.memory_space<semaphore_mem>>) src(%dma_wait3A_299 : memref<512xi32, #tpu.memory_space<hbm>>) dst(%dma_wait3A_297 : memref<512xi32, #tpu.memory_space<vmem>>)
    %dma_wait3A_300 = arith.constant 7 : i32
    %dma_wait3A_301 = arith.constant 3584 : i32
    %dma_wait3A_302 = tpu.memref_slice %arg6[%dma_wait3A_301] : memref<13312xi32, #tpu.memory_space<vmem>> -> memref<512xi32, #tpu.memory_space<vmem>>
    %dma_wait3A_303 = tpu.memref_slice %arg2[%dma_wait3A_300, %mul3A_2] : memref<26x16384xi32, #tpu.memory_space<hbm>> -> memref<1x512xi32, #tpu.memory_space<hbm>>
    %dma_wait3A_304 = tpu.memref_squeeze %dma_wait3A_303 : memref<1x512xi32, #tpu.memory_space<hbm>> -> memref<512xi32, #tpu.memory_space<hbm>>
    %dma_wait3A_305 = arith.constant 3584 : i32
    %dma_wait3A_306 = tpu.memref_slice %arg6[%dma_wait3A_305] : memref<13312xi32, #tpu.memory_space<vmem>> -> memref<512xi32, #tpu.memory_space<vmem>>
    %dma_wait3A_307 = tpu.memref_slice %arg2[%dma_wait3A_300, %mul3A_2] : memref<26x16384xi32, #tpu.memory_space<hbm>> -> memref<1x512xi32, #tpu.memory_space<hbm>>
    %dma_wait3A_308 = tpu.memref_squeeze %dma_wait3A_307 : memref<1x512xi32, #tpu.memory_space<hbm>> -> memref<512xi32, #tpu.memory_space<hbm>>
    tpu.wait_dma2 semaphore(%arg12 : memref<!tpu.dma_semaphore, #tpu.memory_space<semaphore_mem>>) src(%dma_wait3A_308 : memref<512xi32, #tpu.memory_space<hbm>>) dst(%dma_wait3A_306 : memref<512xi32, #tpu.memory_space<vmem>>)
    %dma_wait3A_309 = arith.constant 8 : i32
    %dma_wait3A_310 = arith.constant 4096 : i32
    %dma_wait3A_311 = tpu.memref_slice %arg6[%dma_wait3A_310] : memref<13312xi32, #tpu.memory_space<vmem>> -> memref<512xi32, #tpu.memory_space<vmem>>
    %dma_wait3A_312 = tpu.memref_slice %arg2[%dma_wait3A_309, %mul3A_2] : memref<26x16384xi32, #tpu.memory_space<hbm>> -> memref<1x512xi32, #tpu.memory_space<hbm>>
    %dma_wait3A_313 = tpu.memref_squeeze %dma_wait3A_312 : memref<1x512xi32, #tpu.memory_space<hbm>> -> memref<512xi32, #tpu.memory_space<hbm>>
    %dma_wait3A_314 = arith.constant 4096 : i32
    %dma_wait3A_315 = tpu.memref_slice %arg6[%dma_wait3A_314] : memref<13312xi32, #tpu.memory_space<vmem>> -> memref<512xi32, #tpu.memory_space<vmem>>
    %dma_wait3A_316 = tpu.memref_slice %arg2[%dma_wait3A_309, %mul3A_2] : memref<26x16384xi32, #tpu.memory_space<hbm>> -> memref<1x512xi32, #tpu.memory_space<hbm>>
    %dma_wait3A_317 = tpu.memref_squeeze %dma_wait3A_316 : memref<1x512xi32, #tpu.memory_space<hbm>> -> memref<512xi32, #tpu.memory_space<hbm>>
    tpu.wait_dma2 semaphore(%arg12 : memref<!tpu.dma_semaphore, #tpu.memory_space<semaphore_mem>>) src(%dma_wait3A_317 : memref<512xi32, #tpu.memory_space<hbm>>) dst(%dma_wait3A_315 : memref<512xi32, #tpu.memory_space<vmem>>)
    %dma_wait3A_318 = arith.constant 9 : i32
    %dma_wait3A_319 = arith.constant 4608 : i32
    %dma_wait3A_320 = tpu.memref_slice %arg6[%dma_wait3A_319] : memref<13312xi32, #tpu.memory_space<vmem>> -> memref<512xi32, #tpu.memory_space<vmem>>
    %dma_wait3A_321 = tpu.memref_slice %arg2[%dma_wait3A_318, %mul3A_2] : memref<26x16384xi32, #tpu.memory_space<hbm>> -> memref<1x512xi32, #tpu.memory_space<hbm>>
    %dma_wait3A_322 = tpu.memref_squeeze %dma_wait3A_321 : memref<1x512xi32, #tpu.memory_space<hbm>> -> memref<512xi32, #tpu.memory_space<hbm>>
    %dma_wait3A_323 = arith.constant 4608 : i32
    %dma_wait3A_324 = tpu.memref_slice %arg6[%dma_wait3A_323] : memref<13312xi32, #tpu.memory_space<vmem>> -> memref<512xi32, #tpu.memory_space<vmem>>
    %dma_wait3A_325 = tpu.memref_slice %arg2[%dma_wait3A_318, %mul3A_2] : memref<26x16384xi32, #tpu.memory_space<hbm>> -> memref<1x512xi32, #tpu.memory_space<hbm>>
    %dma_wait3A_326 = tpu.memref_squeeze %dma_wait3A_325 : memref<1x512xi32, #tpu.memory_space<hbm>> -> memref<512xi32, #tpu.memory_space<hbm>>
    tpu.wait_dma2 semaphore(%arg12 : memref<!tpu.dma_semaphore, #tpu.memory_space<semaphore_mem>>) src(%dma_wait3A_326 : memref<512xi32, #tpu.memory_space<hbm>>) dst(%dma_wait3A_324 : memref<512xi32, #tpu.memory_space<vmem>>)
    %dma_wait3A_327 = arith.constant 10 : i32
    %dma_wait3A_328 = arith.constant 5120 : i32
    %dma_wait3A_329 = tpu.memref_slice %arg6[%dma_wait3A_328] : memref<13312xi32, #tpu.memory_space<vmem>> -> memref<512xi32, #tpu.memory_space<vmem>>
    %dma_wait3A_330 = tpu.memref_slice %arg2[%dma_wait3A_327, %mul3A_2] : memref<26x16384xi32, #tpu.memory_space<hbm>> -> memref<1x512xi32, #tpu.memory_space<hbm>>
    %dma_wait3A_331 = tpu.memref_squeeze %dma_wait3A_330 : memref<1x512xi32, #tpu.memory_space<hbm>> -> memref<512xi32, #tpu.memory_space<hbm>>
    %dma_wait3A_332 = arith.constant 5120 : i32
    %dma_wait3A_333 = tpu.memref_slice %arg6[%dma_wait3A_332] : memref<13312xi32, #tpu.memory_space<vmem>> -> memref<512xi32, #tpu.memory_space<vmem>>
    %dma_wait3A_334 = tpu.memref_slice %arg2[%dma_wait3A_327, %mul3A_2] : memref<26x16384xi32, #tpu.memory_space<hbm>> -> memref<1x512xi32, #tpu.memory_space<hbm>>
    %dma_wait3A_335 = tpu.memref_squeeze %dma_wait3A_334 : memref<1x512xi32, #tpu.memory_space<hbm>> -> memref<512xi32, #tpu.memory_space<hbm>>
    tpu.wait_dma2 semaphore(%arg12 : memref<!tpu.dma_semaphore, #tpu.memory_space<semaphore_mem>>) src(%dma_wait3A_335 : memref<512xi32, #tpu.memory_space<hbm>>) dst(%dma_wait3A_333 : memref<512xi32, #tpu.memory_space<vmem>>)
    %dma_wait3A_336 = arith.constant 11 : i32
    %dma_wait3A_337 = arith.constant 5632 : i32
    %dma_wait3A_338 = tpu.memref_slice %arg6[%dma_wait3A_337] : memref<13312xi32, #tpu.memory_space<vmem>> -> memref<512xi32, #tpu.memory_space<vmem>>
    %dma_wait3A_339 = tpu.memref_slice %arg2[%dma_wait3A_336, %mul3A_2] : memref<26x16384xi32, #tpu.memory_space<hbm>> -> memref<1x512xi32, #tpu.memory_space<hbm>>
    %dma_wait3A_340 = tpu.memref_squeeze %dma_wait3A_339 : memref<1x512xi32, #tpu.memory_space<hbm>> -> memref<512xi32, #tpu.memory_space<hbm>>
    %dma_wait3A_341 = arith.constant 5632 : i32
    %dma_wait3A_342 = tpu.memref_slice %arg6[%dma_wait3A_341] : memref<13312xi32, #tpu.memory_space<vmem>> -> memref<512xi32, #tpu.memory_space<vmem>>
    %dma_wait3A_343 = tpu.memref_slice %arg2[%dma_wait3A_336, %mul3A_2] : memref<26x16384xi32, #tpu.memory_space<hbm>> -> memref<1x512xi32, #tpu.memory_space<hbm>>
    %dma_wait3A_344 = tpu.memref_squeeze %dma_wait3A_343 : memref<1x512xi32, #tpu.memory_space<hbm>> -> memref<512xi32, #tpu.memory_space<hbm>>
    tpu.wait_dma2 semaphore(%arg12 : memref<!tpu.dma_semaphore, #tpu.memory_space<semaphore_mem>>) src(%dma_wait3A_344 : memref<512xi32, #tpu.memory_space<hbm>>) dst(%dma_wait3A_342 : memref<512xi32, #tpu.memory_space<vmem>>)
    %dma_wait3A_345 = arith.constant 12 : i32
    %dma_wait3A_346 = arith.constant 6144 : i32
    %dma_wait3A_347 = tpu.memref_slice %arg6[%dma_wait3A_346] : memref<13312xi32, #tpu.memory_space<vmem>> -> memref<512xi32, #tpu.memory_space<vmem>>
    %dma_wait3A_348 = tpu.memref_slice %arg2[%dma_wait3A_345, %mul3A_2] : memref<26x16384xi32, #tpu.memory_space<hbm>> -> memref<1x512xi32, #tpu.memory_space<hbm>>
    %dma_wait3A_349 = tpu.memref_squeeze %dma_wait3A_348 : memref<1x512xi32, #tpu.memory_space<hbm>> -> memref<512xi32, #tpu.memory_space<hbm>>
    %dma_wait3A_350 = arith.constant 6144 : i32
    %dma_wait3A_351 = tpu.memref_slice %arg6[%dma_wait3A_350] : memref<13312xi32, #tpu.memory_space<vmem>> -> memref<512xi32, #tpu.memory_space<vmem>>
    %dma_wait3A_352 = tpu.memref_slice %arg2[%dma_wait3A_345, %mul3A_2] : memref<26x16384xi32, #tpu.memory_space<hbm>> -> memref<1x512xi32, #tpu.memory_space<hbm>>
    %dma_wait3A_353 = tpu.memref_squeeze %dma_wait3A_352 : memref<1x512xi32, #tpu.memory_space<hbm>> -> memref<512xi32, #tpu.memory_space<hbm>>
    tpu.wait_dma2 semaphore(%arg12 : memref<!tpu.dma_semaphore, #tpu.memory_space<semaphore_mem>>) src(%dma_wait3A_353 : memref<512xi32, #tpu.memory_space<hbm>>) dst(%dma_wait3A_351 : memref<512xi32, #tpu.memory_space<vmem>>)
    %dma_start3A_354 = arith.constant 0 : i32
    %dma_start3A_355 = arith.constant 0 : i32
    %dma_start3A_356 = tpu.memref_slice %arg7[%dma_start3A_355] : memref<13312xf32, #tpu.memory_space<vmem>> -> memref<6656xf32, #tpu.memory_space<vmem>>
    %dma_start3A_357 = arith.constant 0 : i32
    %dma_start3A_358 = tpu.memref_slice %arg6[%dma_start3A_357] : memref<13312xi32, #tpu.memory_space<vmem>> -> memref<6656xi32, #tpu.memory_space<vmem>>
    %dma_start3A_359 = arith.constant 0 : i32
    %dma_start3A_360 = tpu.memref_slice %arg3[%dma_start3A_354, %dma_start3A_359] : memref<1x1000000xf32, #tpu.memory_space<hbm>> -> memref<1x1000000xf32, #tpu.memory_space<hbm>>
    %dma_start3A_361 = tpu.memref_squeeze %dma_start3A_360 : memref<1x1000000xf32, #tpu.memory_space<hbm>> -> memref<1000000xf32, #tpu.memory_space<hbm>>
    %dma_start3A_362 = arith.constant 0 : i32
    %dma_start3A_363 = tpu.memref_slice %dma_start3A_361[%dma_start3A_362] : memref<1000000xf32, #tpu.memory_space<hbm>> -> memref<1000000xf32, #tpu.memory_space<hbm>>
    tpu.enqueue_indirect_dma source(%dma_start3A_363 : memref<1000000xf32, #tpu.memory_space<hbm>>) target(%dma_start3A_356 : memref<6656xf32, #tpu.memory_space<vmem>>) offsets(%dma_start3A_358 : memref<6656xi32, #tpu.memory_space<vmem>>) semaphore(%arg11 : memref<!tpu.dma_semaphore, #tpu.memory_space<semaphore_mem>>)
    %dma_wait3A_364 = arith.constant 13 : i32
    %dma_wait3A_365 = arith.constant 6656 : i32
    %dma_wait3A_366 = tpu.memref_slice %arg6[%dma_wait3A_365] : memref<13312xi32, #tpu.memory_space<vmem>> -> memref<512xi32, #tpu.memory_space<vmem>>
    %dma_wait3A_367 = tpu.memref_slice %arg2[%dma_wait3A_364, %mul3A_2] : memref<26x16384xi32, #tpu.memory_space<hbm>> -> memref<1x512xi32, #tpu.memory_space<hbm>>
    %dma_wait3A_368 = tpu.memref_squeeze %dma_wait3A_367 : memref<1x512xi32, #tpu.memory_space<hbm>> -> memref<512xi32, #tpu.memory_space<hbm>>
    %dma_wait3A_369 = arith.constant 6656 : i32
    %dma_wait3A_370 = tpu.memref_slice %arg6[%dma_wait3A_369] : memref<13312xi32, #tpu.memory_space<vmem>> -> memref<512xi32, #tpu.memory_space<vmem>>
    %dma_wait3A_371 = tpu.memref_slice %arg2[%dma_wait3A_364, %mul3A_2] : memref<26x16384xi32, #tpu.memory_space<hbm>> -> memref<1x512xi32, #tpu.memory_space<hbm>>
    %dma_wait3A_372 = tpu.memref_squeeze %dma_wait3A_371 : memref<1x512xi32, #tpu.memory_space<hbm>> -> memref<512xi32, #tpu.memory_space<hbm>>
    tpu.wait_dma2 semaphore(%arg13 : memref<!tpu.dma_semaphore, #tpu.memory_space<semaphore_mem>>) src(%dma_wait3A_372 : memref<512xi32, #tpu.memory_space<hbm>>) dst(%dma_wait3A_370 : memref<512xi32, #tpu.memory_space<vmem>>)
    %dma_wait3A_373 = arith.constant 14 : i32
    %dma_wait3A_374 = arith.constant 7168 : i32
    %dma_wait3A_375 = tpu.memref_slice %arg6[%dma_wait3A_374] : memref<13312xi32, #tpu.memory_space<vmem>> -> memref<512xi32, #tpu.memory_space<vmem>>
    %dma_wait3A_376 = tpu.memref_slice %arg2[%dma_wait3A_373, %mul3A_2] : memref<26x16384xi32, #tpu.memory_space<hbm>> -> memref<1x512xi32, #tpu.memory_space<hbm>>
    %dma_wait3A_377 = tpu.memref_squeeze %dma_wait3A_376 : memref<1x512xi32, #tpu.memory_space<hbm>> -> memref<512xi32, #tpu.memory_space<hbm>>
    %dma_wait3A_378 = arith.constant 7168 : i32
    %dma_wait3A_379 = tpu.memref_slice %arg6[%dma_wait3A_378] : memref<13312xi32, #tpu.memory_space<vmem>> -> memref<512xi32, #tpu.memory_space<vmem>>
    %dma_wait3A_380 = tpu.memref_slice %arg2[%dma_wait3A_373, %mul3A_2] : memref<26x16384xi32, #tpu.memory_space<hbm>> -> memref<1x512xi32, #tpu.memory_space<hbm>>
    %dma_wait3A_381 = tpu.memref_squeeze %dma_wait3A_380 : memref<1x512xi32, #tpu.memory_space<hbm>> -> memref<512xi32, #tpu.memory_space<hbm>>
    tpu.wait_dma2 semaphore(%arg13 : memref<!tpu.dma_semaphore, #tpu.memory_space<semaphore_mem>>) src(%dma_wait3A_381 : memref<512xi32, #tpu.memory_space<hbm>>) dst(%dma_wait3A_379 : memref<512xi32, #tpu.memory_space<vmem>>)
    %dma_wait3A_382 = arith.constant 15 : i32
    %dma_wait3A_383 = arith.constant 7680 : i32
    %dma_wait3A_384 = tpu.memref_slice %arg6[%dma_wait3A_383] : memref<13312xi32, #tpu.memory_space<vmem>> -> memref<512xi32, #tpu.memory_space<vmem>>
    %dma_wait3A_385 = tpu.memref_slice %arg2[%dma_wait3A_382, %mul3A_2] : memref<26x16384xi32, #tpu.memory_space<hbm>> -> memref<1x512xi32, #tpu.memory_space<hbm>>
    %dma_wait3A_386 = tpu.memref_squeeze %dma_wait3A_385 : memref<1x512xi32, #tpu.memory_space<hbm>> -> memref<512xi32, #tpu.memory_space<hbm>>
    %dma_wait3A_387 = arith.constant 7680 : i32
    %dma_wait3A_388 = tpu.memref_slice %arg6[%dma_wait3A_387] : memref<13312xi32, #tpu.memory_space<vmem>> -> memref<512xi32, #tpu.memory_space<vmem>>
    %dma_wait3A_389 = tpu.memref_slice %arg2[%dma_wait3A_382, %mul3A_2] : memref<26x16384xi32, #tpu.memory_space<hbm>> -> memref<1x512xi32, #tpu.memory_space<hbm>>
    %dma_wait3A_390 = tpu.memref_squeeze %dma_wait3A_389 : memref<1x512xi32, #tpu.memory_space<hbm>> -> memref<512xi32, #tpu.memory_space<hbm>>
    tpu.wait_dma2 semaphore(%arg13 : memref<!tpu.dma_semaphore, #tpu.memory_space<semaphore_mem>>) src(%dma_wait3A_390 : memref<512xi32, #tpu.memory_space<hbm>>) dst(%dma_wait3A_388 : memref<512xi32, #tpu.memory_space<vmem>>)
    %dma_wait3A_391 = arith.constant 16 : i32
    %dma_wait3A_392 = arith.constant 8192 : i32
    %dma_wait3A_393 = tpu.memref_slice %arg6[%dma_wait3A_392] : memref<13312xi32, #tpu.memory_space<vmem>> -> memref<512xi32, #tpu.memory_space<vmem>>
    %dma_wait3A_394 = tpu.memref_slice %arg2[%dma_wait3A_391, %mul3A_2] : memref<26x16384xi32, #tpu.memory_space<hbm>> -> memref<1x512xi32, #tpu.memory_space<hbm>>
    %dma_wait3A_395 = tpu.memref_squeeze %dma_wait3A_394 : memref<1x512xi32, #tpu.memory_space<hbm>> -> memref<512xi32, #tpu.memory_space<hbm>>
    %dma_wait3A_396 = arith.constant 8192 : i32
    %dma_wait3A_397 = tpu.memref_slice %arg6[%dma_wait3A_396] : memref<13312xi32, #tpu.memory_space<vmem>> -> memref<512xi32, #tpu.memory_space<vmem>>
    %dma_wait3A_398 = tpu.memref_slice %arg2[%dma_wait3A_391, %mul3A_2] : memref<26x16384xi32, #tpu.memory_space<hbm>> -> memref<1x512xi32, #tpu.memory_space<hbm>>
    %dma_wait3A_399 = tpu.memref_squeeze %dma_wait3A_398 : memref<1x512xi32, #tpu.memory_space<hbm>> -> memref<512xi32, #tpu.memory_space<hbm>>
    tpu.wait_dma2 semaphore(%arg13 : memref<!tpu.dma_semaphore, #tpu.memory_space<semaphore_mem>>) src(%dma_wait3A_399 : memref<512xi32, #tpu.memory_space<hbm>>) dst(%dma_wait3A_397 : memref<512xi32, #tpu.memory_space<vmem>>)
    %dma_wait3A_400 = arith.constant 17 : i32
    %dma_wait3A_401 = arith.constant 8704 : i32
    %dma_wait3A_402 = tpu.memref_slice %arg6[%dma_wait3A_401] : memref<13312xi32, #tpu.memory_space<vmem>> -> memref<512xi32, #tpu.memory_space<vmem>>
    %dma_wait3A_403 = tpu.memref_slice %arg2[%dma_wait3A_400, %mul3A_2] : memref<26x16384xi32, #tpu.memory_space<hbm>> -> memref<1x512xi32, #tpu.memory_space<hbm>>
    %dma_wait3A_404 = tpu.memref_squeeze %dma_wait3A_403 : memref<1x512xi32, #tpu.memory_space<hbm>> -> memref<512xi32, #tpu.memory_space<hbm>>
    %dma_wait3A_405 = arith.constant 8704 : i32
    %dma_wait3A_406 = tpu.memref_slice %arg6[%dma_wait3A_405] : memref<13312xi32, #tpu.memory_space<vmem>> -> memref<512xi32, #tpu.memory_space<vmem>>
    %dma_wait3A_407 = tpu.memref_slice %arg2[%dma_wait3A_400, %mul3A_2] : memref<26x16384xi32, #tpu.memory_space<hbm>> -> memref<1x512xi32, #tpu.memory_space<hbm>>
    %dma_wait3A_408 = tpu.memref_squeeze %dma_wait3A_407 : memref<1x512xi32, #tpu.memory_space<hbm>> -> memref<512xi32, #tpu.memory_space<hbm>>
    tpu.wait_dma2 semaphore(%arg13 : memref<!tpu.dma_semaphore, #tpu.memory_space<semaphore_mem>>) src(%dma_wait3A_408 : memref<512xi32, #tpu.memory_space<hbm>>) dst(%dma_wait3A_406 : memref<512xi32, #tpu.memory_space<vmem>>)
    %dma_wait3A_409 = arith.constant 18 : i32
    %dma_wait3A_410 = arith.constant 9216 : i32
    %dma_wait3A_411 = tpu.memref_slice %arg6[%dma_wait3A_410] : memref<13312xi32, #tpu.memory_space<vmem>> -> memref<512xi32, #tpu.memory_space<vmem>>
    %dma_wait3A_412 = tpu.memref_slice %arg2[%dma_wait3A_409, %mul3A_2] : memref<26x16384xi32, #tpu.memory_space<hbm>> -> memref<1x512xi32, #tpu.memory_space<hbm>>
    %dma_wait3A_413 = tpu.memref_squeeze %dma_wait3A_412 : memref<1x512xi32, #tpu.memory_space<hbm>> -> memref<512xi32, #tpu.memory_space<hbm>>
    %dma_wait3A_414 = arith.constant 9216 : i32
    %dma_wait3A_415 = tpu.memref_slice %arg6[%dma_wait3A_414] : memref<13312xi32, #tpu.memory_space<vmem>> -> memref<512xi32, #tpu.memory_space<vmem>>
    %dma_wait3A_416 = tpu.memref_slice %arg2[%dma_wait3A_409, %mul3A_2] : memref<26x16384xi32, #tpu.memory_space<hbm>> -> memref<1x512xi32, #tpu.memory_space<hbm>>
    %dma_wait3A_417 = tpu.memref_squeeze %dma_wait3A_416 : memref<1x512xi32, #tpu.memory_space<hbm>> -> memref<512xi32, #tpu.memory_space<hbm>>
    tpu.wait_dma2 semaphore(%arg13 : memref<!tpu.dma_semaphore, #tpu.memory_space<semaphore_mem>>) src(%dma_wait3A_417 : memref<512xi32, #tpu.memory_space<hbm>>) dst(%dma_wait3A_415 : memref<512xi32, #tpu.memory_space<vmem>>)
    %dma_wait3A_418 = arith.constant 19 : i32
    %dma_wait3A_419 = arith.constant 9728 : i32
    %dma_wait3A_420 = tpu.memref_slice %arg6[%dma_wait3A_419] : memref<13312xi32, #tpu.memory_space<vmem>> -> memref<512xi32, #tpu.memory_space<vmem>>
    %dma_wait3A_421 = tpu.memref_slice %arg2[%dma_wait3A_418, %mul3A_2] : memref<26x16384xi32, #tpu.memory_space<hbm>> -> memref<1x512xi32, #tpu.memory_space<hbm>>
    %dma_wait3A_422 = tpu.memref_squeeze %dma_wait3A_421 : memref<1x512xi32, #tpu.memory_space<hbm>> -> memref<512xi32, #tpu.memory_space<hbm>>
    %dma_wait3A_423 = arith.constant 9728 : i32
    %dma_wait3A_424 = tpu.memref_slice %arg6[%dma_wait3A_423] : memref<13312xi32, #tpu.memory_space<vmem>> -> memref<512xi32, #tpu.memory_space<vmem>>
    %dma_wait3A_425 = tpu.memref_slice %arg2[%dma_wait3A_418, %mul3A_2] : memref<26x16384xi32, #tpu.memory_space<hbm>> -> memref<1x512xi32, #tpu.memory_space<hbm>>
    %dma_wait3A_426 = tpu.memref_squeeze %dma_wait3A_425 : memref<1x512xi32, #tpu.memory_space<hbm>> -> memref<512xi32, #tpu.memory_space<hbm>>
    tpu.wait_dma2 semaphore(%arg13 : memref<!tpu.dma_semaphore, #tpu.memory_space<semaphore_mem>>) src(%dma_wait3A_426 : memref<512xi32, #tpu.memory_space<hbm>>) dst(%dma_wait3A_424 : memref<512xi32, #tpu.memory_space<vmem>>)
    %dma_wait3A_427 = arith.constant 20 : i32
    %dma_wait3A_428 = arith.constant 10240 : i32
    %dma_wait3A_429 = tpu.memref_slice %arg6[%dma_wait3A_428] : memref<13312xi32, #tpu.memory_space<vmem>> -> memref<512xi32, #tpu.memory_space<vmem>>
    %dma_wait3A_430 = tpu.memref_slice %arg2[%dma_wait3A_427, %mul3A_2] : memref<26x16384xi32, #tpu.memory_space<hbm>> -> memref<1x512xi32, #tpu.memory_space<hbm>>
    %dma_wait3A_431 = tpu.memref_squeeze %dma_wait3A_430 : memref<1x512xi32, #tpu.memory_space<hbm>> -> memref<512xi32, #tpu.memory_space<hbm>>
    %dma_wait3A_432 = arith.constant 10240 : i32
    %dma_wait3A_433 = tpu.memref_slice %arg6[%dma_wait3A_432] : memref<13312xi32, #tpu.memory_space<vmem>> -> memref<512xi32, #tpu.memory_space<vmem>>
    %dma_wait3A_434 = tpu.memref_slice %arg2[%dma_wait3A_427, %mul3A_2] : memref<26x16384xi32, #tpu.memory_space<hbm>> -> memref<1x512xi32, #tpu.memory_space<hbm>>
    %dma_wait3A_435 = tpu.memref_squeeze %dma_wait3A_434 : memref<1x512xi32, #tpu.memory_space<hbm>> -> memref<512xi32, #tpu.memory_space<hbm>>
    tpu.wait_dma2 semaphore(%arg13 : memref<!tpu.dma_semaphore, #tpu.memory_space<semaphore_mem>>) src(%dma_wait3A_435 : memref<512xi32, #tpu.memory_space<hbm>>) dst(%dma_wait3A_433 : memref<512xi32, #tpu.memory_space<vmem>>)
    %dma_wait3A_436 = arith.constant 21 : i32
    %dma_wait3A_437 = arith.constant 10752 : i32
    %dma_wait3A_438 = tpu.memref_slice %arg6[%dma_wait3A_437] : memref<13312xi32, #tpu.memory_space<vmem>> -> memref<512xi32, #tpu.memory_space<vmem>>
    %dma_wait3A_439 = tpu.memref_slice %arg2[%dma_wait3A_436, %mul3A_2] : memref<26x16384xi32, #tpu.memory_space<hbm>> -> memref<1x512xi32, #tpu.memory_space<hbm>>
    %dma_wait3A_440 = tpu.memref_squeeze %dma_wait3A_439 : memref<1x512xi32, #tpu.memory_space<hbm>> -> memref<512xi32, #tpu.memory_space<hbm>>
    %dma_wait3A_441 = arith.constant 10752 : i32
    %dma_wait3A_442 = tpu.memref_slice %arg6[%dma_wait3A_441] : memref<13312xi32, #tpu.memory_space<vmem>> -> memref<512xi32, #tpu.memory_space<vmem>>
    %dma_wait3A_443 = tpu.memref_slice %arg2[%dma_wait3A_436, %mul3A_2] : memref<26x16384xi32, #tpu.memory_space<hbm>> -> memref<1x512xi32, #tpu.memory_space<hbm>>
    %dma_wait3A_444 = tpu.memref_squeeze %dma_wait3A_443 : memref<1x512xi32, #tpu.memory_space<hbm>> -> memref<512xi32, #tpu.memory_space<hbm>>
    tpu.wait_dma2 semaphore(%arg13 : memref<!tpu.dma_semaphore, #tpu.memory_space<semaphore_mem>>) src(%dma_wait3A_444 : memref<512xi32, #tpu.memory_space<hbm>>) dst(%dma_wait3A_442 : memref<512xi32, #tpu.memory_space<vmem>>)
    %dma_wait3A_445 = arith.constant 22 : i32
    %dma_wait3A_446 = arith.constant 11264 : i32
    %dma_wait3A_447 = tpu.memref_slice %arg6[%dma_wait3A_446] : memref<13312xi32, #tpu.memory_space<vmem>> -> memref<512xi32, #tpu.memory_space<vmem>>
    %dma_wait3A_448 = tpu.memref_slice %arg2[%dma_wait3A_445, %mul3A_2] : memref<26x16384xi32, #tpu.memory_space<hbm>> -> memref<1x512xi32, #tpu.memory_space<hbm>>
    %dma_wait3A_449 = tpu.memref_squeeze %dma_wait3A_448 : memref<1x512xi32, #tpu.memory_space<hbm>> -> memref<512xi32, #tpu.memory_space<hbm>>
    %dma_wait3A_450 = arith.constant 11264 : i32
    %dma_wait3A_451 = tpu.memref_slice %arg6[%dma_wait3A_450] : memref<13312xi32, #tpu.memory_space<vmem>> -> memref<512xi32, #tpu.memory_space<vmem>>
    %dma_wait3A_452 = tpu.memref_slice %arg2[%dma_wait3A_445, %mul3A_2] : memref<26x16384xi32, #tpu.memory_space<hbm>> -> memref<1x512xi32, #tpu.memory_space<hbm>>
    %dma_wait3A_453 = tpu.memref_squeeze %dma_wait3A_452 : memref<1x512xi32, #tpu.memory_space<hbm>> -> memref<512xi32, #tpu.memory_space<hbm>>
    tpu.wait_dma2 semaphore(%arg13 : memref<!tpu.dma_semaphore, #tpu.memory_space<semaphore_mem>>) src(%dma_wait3A_453 : memref<512xi32, #tpu.memory_space<hbm>>) dst(%dma_wait3A_451 : memref<512xi32, #tpu.memory_space<vmem>>)
    %dma_wait3A_454 = arith.constant 23 : i32
    %dma_wait3A_455 = arith.constant 11776 : i32
    %dma_wait3A_456 = tpu.memref_slice %arg6[%dma_wait3A_455] : memref<13312xi32, #tpu.memory_space<vmem>> -> memref<512xi32, #tpu.memory_space<vmem>>
    %dma_wait3A_457 = tpu.memref_slice %arg2[%dma_wait3A_454, %mul3A_2] : memref<26x16384xi32, #tpu.memory_space<hbm>> -> memref<1x512xi32, #tpu.memory_space<hbm>>
    %dma_wait3A_458 = tpu.memref_squeeze %dma_wait3A_457 : memref<1x512xi32, #tpu.memory_space<hbm>> -> memref<512xi32, #tpu.memory_space<hbm>>
    %dma_wait3A_459 = arith.constant 11776 : i32
    %dma_wait3A_460 = tpu.memref_slice %arg6[%dma_wait3A_459] : memref<13312xi32, #tpu.memory_space<vmem>> -> memref<512xi32, #tpu.memory_space<vmem>>
    %dma_wait3A_461 = tpu.memref_slice %arg2[%dma_wait3A_454, %mul3A_2] : memref<26x16384xi32, #tpu.memory_space<hbm>> -> memref<1x512xi32, #tpu.memory_space<hbm>>
    %dma_wait3A_462 = tpu.memref_squeeze %dma_wait3A_461 : memref<1x512xi32, #tpu.memory_space<hbm>> -> memref<512xi32, #tpu.memory_space<hbm>>
    tpu.wait_dma2 semaphore(%arg13 : memref<!tpu.dma_semaphore, #tpu.memory_space<semaphore_mem>>) src(%dma_wait3A_462 : memref<512xi32, #tpu.memory_space<hbm>>) dst(%dma_wait3A_460 : memref<512xi32, #tpu.memory_space<vmem>>)
    %dma_wait3A_463 = arith.constant 24 : i32
    %dma_wait3A_464 = arith.constant 12288 : i32
    %dma_wait3A_465 = tpu.memref_slice %arg6[%dma_wait3A_464] : memref<13312xi32, #tpu.memory_space<vmem>> -> memref<512xi32, #tpu.memory_space<vmem>>
    %dma_wait3A_466 = tpu.memref_slice %arg2[%dma_wait3A_463, %mul3A_2] : memref<26x16384xi32, #tpu.memory_space<hbm>> -> memref<1x512xi32, #tpu.memory_space<hbm>>
    %dma_wait3A_467 = tpu.memref_squeeze %dma_wait3A_466 : memref<1x512xi32, #tpu.memory_space<hbm>> -> memref<512xi32, #tpu.memory_space<hbm>>
    %dma_wait3A_468 = arith.constant 12288 : i32
    %dma_wait3A_469 = tpu.memref_slice %arg6[%dma_wait3A_468] : memref<13312xi32, #tpu.memory_space<vmem>> -> memref<512xi32, #tpu.memory_space<vmem>>
    %dma_wait3A_470 = tpu.memref_slice %arg2[%dma_wait3A_463, %mul3A_2] : memref<26x16384xi32, #tpu.memory_space<hbm>> -> memref<1x512xi32, #tpu.memory_space<hbm>>
    %dma_wait3A_471 = tpu.memref_squeeze %dma_wait3A_470 : memref<1x512xi32, #tpu.memory_space<hbm>> -> memref<512xi32, #tpu.memory_space<hbm>>
    tpu.wait_dma2 semaphore(%arg13 : memref<!tpu.dma_semaphore, #tpu.memory_space<semaphore_mem>>) src(%dma_wait3A_471 : memref<512xi32, #tpu.memory_space<hbm>>) dst(%dma_wait3A_469 : memref<512xi32, #tpu.memory_space<vmem>>)
    %dma_wait3A_472 = arith.constant 25 : i32
    %dma_wait3A_473 = arith.constant 12800 : i32
    %dma_wait3A_474 = tpu.memref_slice %arg6[%dma_wait3A_473] : memref<13312xi32, #tpu.memory_space<vmem>> -> memref<512xi32, #tpu.memory_space<vmem>>
    %dma_wait3A_475 = tpu.memref_slice %arg2[%dma_wait3A_472, %mul3A_2] : memref<26x16384xi32, #tpu.memory_space<hbm>> -> memref<1x512xi32, #tpu.memory_space<hbm>>
    %dma_wait3A_476 = tpu.memref_squeeze %dma_wait3A_475 : memref<1x512xi32, #tpu.memory_space<hbm>> -> memref<512xi32, #tpu.memory_space<hbm>>
    %dma_wait3A_477 = arith.constant 12800 : i32
    %dma_wait3A_478 = tpu.memref_slice %arg6[%dma_wait3A_477] : memref<13312xi32, #tpu.memory_space<vmem>> -> memref<512xi32, #tpu.memory_space<vmem>>
    %dma_wait3A_479 = tpu.memref_slice %arg2[%dma_wait3A_472, %mul3A_2] : memref<26x16384xi32, #tpu.memory_space<hbm>> -> memref<1x512xi32, #tpu.memory_space<hbm>>
    %dma_wait3A_480 = tpu.memref_squeeze %dma_wait3A_479 : memref<1x512xi32, #tpu.memory_space<hbm>> -> memref<512xi32, #tpu.memory_space<hbm>>
    tpu.wait_dma2 semaphore(%arg13 : memref<!tpu.dma_semaphore, #tpu.memory_space<semaphore_mem>>) src(%dma_wait3A_480 : memref<512xi32, #tpu.memory_space<hbm>>) dst(%dma_wait3A_478 : memref<512xi32, #tpu.memory_space<vmem>>)
    %eq3A_481 = arith.constant 0 : i32
    %eq3A_482 = arith.cmpi eq, %arg1, %eq3A_481 : i32
    %convert_element_type3A_483 = arith.extui %eq3A_482 : i1 to i32
    %cond3A_484 = arith.constant 0 : i32
    %cond3A_485 = arith.cmpi ne, %convert_element_type3A_483, %cond3A_484 : i32
    scf.if %cond3A_485 {
      tpu.wait_dma2 semaphore(%arg14 : memref<!tpu.dma_semaphore, #tpu.memory_space<semaphore_mem>>) src(%arg3 : memref<1x1000000xf32, #tpu.memory_space<hbm>>) dst(%arg10 : memref<1x1000000xf32, #tpu.memory_space<vmem_shared>>)
    } else {
    }
    %barrier3A = arith.constant 0 : index
    tpu.barrier barrier_id(%barrier3A)
    %dma_start3A_486 = arith.constant 0 : i32
    %dma_start3A_487 = arith.constant 6656 : i32
    %dma_start3A_488 = tpu.memref_slice %arg7[%dma_start3A_487] : memref<13312xf32, #tpu.memory_space<vmem>> -> memref<6656xf32, #tpu.memory_space<vmem>>
    %dma_start3A_489 = arith.constant 6656 : i32
    %dma_start3A_490 = tpu.memref_slice %arg6[%dma_start3A_489] : memref<13312xi32, #tpu.memory_space<vmem>> -> memref<6656xi32, #tpu.memory_space<vmem>>
    %dma_start3A_491 = arith.constant 0 : i32
    %dma_start3A_492 = tpu.memref_slice %arg10[%dma_start3A_486, %dma_start3A_491] : memref<1x1000000xf32, #tpu.memory_space<vmem_shared>> -> memref<1x1000000xf32, #tpu.memory_space<vmem_shared>>
    %dma_start3A_493 = tpu.memref_squeeze %dma_start3A_492 : memref<1x1000000xf32, #tpu.memory_space<vmem_shared>> -> memref<1000000xf32, #tpu.memory_space<vmem_shared>>
    %dma_start3A_494 = arith.constant 0 : i32
    %dma_start3A_495 = tpu.memref_slice %dma_start3A_493[%dma_start3A_494] : memref<1000000xf32, #tpu.memory_space<vmem_shared>> -> memref<1000000xf32, #tpu.memory_space<vmem_shared>>
    tpu.enqueue_indirect_dma source(%dma_start3A_495 : memref<1000000xf32, #tpu.memory_space<vmem_shared>>) target(%dma_start3A_488 : memref<6656xf32, #tpu.memory_space<vmem>>) offsets(%dma_start3A_490 : memref<6656xi32, #tpu.memory_space<vmem>>) semaphore(%arg13 : memref<!tpu.dma_semaphore, #tpu.memory_space<semaphore_mem>>)
    %get3A = arith.constant 0 : index
    %get3A_496 = tpu.vector_load %arg9[%get3A] {strides = array<i32>} : memref<128xf32, #tpu.memory_space<vmem>>, vector<16xf32>,
    %slice3A = vector.extract_strided_slice %get3A_496 {offsets = [0], sizes = [1], strides = [1]} : vector<16xf32> to vector<1xf32>
    %squeeze3A = vector.extract %slice3A[0] : f32 from vector<1xf32>
    %broadcast_in_dim3A = vector.broadcast %squeeze3A : f32 to vector<16xf32>
    %dma_wait3A_497 = arith.constant 0 : i32
    %dma_wait3A_498 = arith.constant 0 : i32
    %dma_wait3A_499 = tpu.memref_slice %arg7[%dma_wait3A_498] : memref<13312xf32, #tpu.memory_space<vmem>> -> memref<6656xf32, #tpu.memory_space<vmem>>
    %dma_wait3A_500 = arith.constant 0 : i32
    %dma_wait3A_501 = tpu.memref_slice %arg6[%dma_wait3A_500] : memref<13312xi32, #tpu.memory_space<vmem>> -> memref<6656xi32, #tpu.memory_space<vmem>>
    %dma_wait3A_502 = arith.constant 0 : i32
    %dma_wait3A_503 = tpu.memref_slice %arg3[%dma_wait3A_497, %dma_wait3A_502] : memref<1x1000000xf32, #tpu.memory_space<hbm>> -> memref<1x1000000xf32, #tpu.memory_space<hbm>>
    %dma_wait3A_504 = tpu.memref_squeeze %dma_wait3A_503 : memref<1x1000000xf32, #tpu.memory_space<hbm>> -> memref<1000000xf32, #tpu.memory_space<hbm>>
    %dma_wait3A_505 = arith.constant 0 : i32
    %dma_wait3A_506 = tpu.memref_slice %dma_wait3A_504[%dma_wait3A_505] : memref<1000000xf32, #tpu.memory_space<hbm>> -> memref<1000000xf32, #tpu.memory_space<hbm>>
    tpu.wait_indirect_dma semaphore(%arg11 : memref<!tpu.dma_semaphore, #tpu.memory_space<semaphore_mem>>) src(%dma_wait3A_506 : memref<1000000xf32, #tpu.memory_space<hbm>>) dst(%dma_wait3A_499 : memref<6656xf32, #tpu.memory_space<vmem>>)
    %scan3A = arith.constant 0 : i32
    %scan3A_507 = arith.constant 0 : i32
    %scan3A_508 = arith.constant 32 : i32
    %scan3A_509 = arith.addi %scan3A_507, %scan3A_508 : i32
    %scan3A_510 = arith.constant 1 : i32
    scf.for %scan3A_528 = %scan3A_507 to %scan3A_509 step %scan3A_510  : i32 {
      %mul3A_529 = arith.constant 16 : i32
      %mul3A_530 = arith.muli %scan3A_528, %mul3A_529 : i32
      %add3A_531 = arith.constant 0 : i32
      %add3A_532 = arith.addi %add3A_531, %mul3A_530 : i32
      %get3A_533 = arith.index_cast %add3A_532 : i32 to index
      %get3A_534 = tpu.vector_load %arg7[%get3A_533] {strides = array<i32>} : memref<13312xf32, #tpu.memory_space<vmem>>, vector<16xf32>,
      %add3A_535 = arith.addf %broadcast_in_dim3A, %get3A_534 : vector<16xf32>
      %mul3A_536 = arith.constant 16 : i32
      %mul3A_537 = arith.muli %scan3A_528, %mul3A_536 : i32
      %add3A_538 = arith.constant 512 : i32
      %add3A_539 = arith.addi %add3A_538, %mul3A_537 : i32
      %get3A_540 = arith.index_cast %add3A_539 : i32 to index
      %get3A_541 = tpu.vector_load %arg7[%get3A_540] {strides = array<i32>} : memref<13312xf32, #tpu.memory_space<vmem>>, vector<16xf32>,
      %add3A_542 = arith.addf %add3A_535, %get3A_541 : vector<16xf32>
      %mul3A_543 = arith.constant 16 : i32
      %mul3A_544 = arith.muli %scan3A_528, %mul3A_543 : i32
      %add3A_545 = arith.constant 1024 : i32
      %add3A_546 = arith.addi %add3A_545, %mul3A_544 : i32
      %get3A_547 = arith.index_cast %add3A_546 : i32 to index
      %get3A_548 = tpu.vector_load %arg7[%get3A_547] {strides = array<i32>} : memref<13312xf32, #tpu.memory_space<vmem>>, vector<16xf32>,
      %add3A_549 = arith.addf %add3A_542, %get3A_548 : vector<16xf32>
      %mul3A_550 = arith.constant 16 : i32
      %mul3A_551 = arith.muli %scan3A_528, %mul3A_550 : i32
      %add3A_552 = arith.constant 1536 : i32
      %add3A_553 = arith.addi %add3A_552, %mul3A_551 : i32
      %get3A_554 = arith.index_cast %add3A_553 : i32 to index
      %get3A_555 = tpu.vector_load %arg7[%get3A_554] {strides = array<i32>} : memref<13312xf32, #tpu.memory_space<vmem>>, vector<16xf32>,
      %add3A_556 = arith.addf %add3A_549, %get3A_555 : vector<16xf32>
      %mul3A_557 = arith.constant 16 : i32
      %mul3A_558 = arith.muli %scan3A_528, %mul3A_557 : i32
      %add3A_559 = arith.constant 2048 : i32
      %add3A_560 = arith.addi %add3A_559, %mul3A_558 : i32
      %get3A_561 = arith.index_cast %add3A_560 : i32 to index
      %get3A_562 = tpu.vector_load %arg7[%get3A_561] {strides = array<i32>} : memref<13312xf32, #tpu.memory_space<vmem>>, vector<16xf32>,
      %add3A_563 = arith.addf %add3A_556, %get3A_562 : vector<16xf32>
      %mul3A_564 = arith.constant 16 : i32
      %mul3A_565 = arith.muli %scan3A_528, %mul3A_564 : i32
      %add3A_566 = arith.constant 2560 : i32
      %add3A_567 = arith.addi %add3A_566, %mul3A_565 : i32
      %get3A_568 = arith.index_cast %add3A_567 : i32 to index
      %get3A_569 = tpu.vector_load %arg7[%get3A_568] {strides = array<i32>} : memref<13312xf32, #tpu.memory_space<vmem>>, vector<16xf32>,
      %add3A_570 = arith.addf %add3A_563, %get3A_569 : vector<16xf32>
      %mul3A_571 = arith.constant 16 : i32
      %mul3A_572 = arith.muli %scan3A_528, %mul3A_571 : i32
      %add3A_573 = arith.constant 3072 : i32
      %add3A_574 = arith.addi %add3A_573, %mul3A_572 : i32
      %get3A_575 = arith.index_cast %add3A_574 : i32 to index
      %get3A_576 = tpu.vector_load %arg7[%get3A_575] {strides = array<i32>} : memref<13312xf32, #tpu.memory_space<vmem>>, vector<16xf32>,
      %add3A_577 = arith.addf %add3A_570, %get3A_576 : vector<16xf32>
      %mul3A_578 = arith.constant 16 : i32
      %mul3A_579 = arith.muli %scan3A_528, %mul3A_578 : i32
      %add3A_580 = arith.constant 3584 : i32
      %add3A_581 = arith.addi %add3A_580, %mul3A_579 : i32
      %get3A_582 = arith.index_cast %add3A_581 : i32 to index
      %get3A_583 = tpu.vector_load %arg7[%get3A_582] {strides = array<i32>} : memref<13312xf32, #tpu.memory_space<vmem>>, vector<16xf32>,
      %add3A_584 = arith.addf %add3A_577, %get3A_583 : vector<16xf32>
      %mul3A_585 = arith.constant 16 : i32
      %mul3A_586 = arith.muli %scan3A_528, %mul3A_585 : i32
      %add3A_587 = arith.constant 4096 : i32
      %add3A_588 = arith.addi %add3A_587, %mul3A_586 : i32
      %get3A_589 = arith.index_cast %add3A_588 : i32 to index
      %get3A_590 = tpu.vector_load %arg7[%get3A_589] {strides = array<i32>} : memref<13312xf32, #tpu.memory_space<vmem>>, vector<16xf32>,
      %add3A_591 = arith.addf %add3A_584, %get3A_590 : vector<16xf32>
      %mul3A_592 = arith.constant 16 : i32
      %mul3A_593 = arith.muli %scan3A_528, %mul3A_592 : i32
      %add3A_594 = arith.constant 4608 : i32
      %add3A_595 = arith.addi %add3A_594, %mul3A_593 : i32
      %get3A_596 = arith.index_cast %add3A_595 : i32 to index
      %get3A_597 = tpu.vector_load %arg7[%get3A_596] {strides = array<i32>} : memref<13312xf32, #tpu.memory_space<vmem>>, vector<16xf32>,
      %add3A_598 = arith.addf %add3A_591, %get3A_597 : vector<16xf32>
      %mul3A_599 = arith.constant 16 : i32
      %mul3A_600 = arith.muli %scan3A_528, %mul3A_599 : i32
      %add3A_601 = arith.constant 5120 : i32
      %add3A_602 = arith.addi %add3A_601, %mul3A_600 : i32
      %get3A_603 = arith.index_cast %add3A_602 : i32 to index
      %get3A_604 = tpu.vector_load %arg7[%get3A_603] {strides = array<i32>} : memref<13312xf32, #tpu.memory_space<vmem>>, vector<16xf32>,
      %add3A_605 = arith.addf %add3A_598, %get3A_604 : vector<16xf32>
      %mul3A_606 = arith.constant 16 : i32
      %mul3A_607 = arith.muli %scan3A_528, %mul3A_606 : i32
      %add3A_608 = arith.constant 5632 : i32
      %add3A_609 = arith.addi %add3A_608, %mul3A_607 : i32
      %get3A_610 = arith.index_cast %add3A_609 : i32 to index
      %get3A_611 = tpu.vector_load %arg7[%get3A_610] {strides = array<i32>} : memref<13312xf32, #tpu.memory_space<vmem>>, vector<16xf32>,
      %add3A_612 = arith.addf %add3A_605, %get3A_611 : vector<16xf32>
      %mul3A_613 = arith.constant 16 : i32
      %mul3A_614 = arith.muli %scan3A_528, %mul3A_613 : i32
      %add3A_615 = arith.constant 6144 : i32
      %add3A_616 = arith.addi %add3A_615, %mul3A_614 : i32
      %get3A_617 = arith.index_cast %add3A_616 : i32 to index
      %get3A_618 = tpu.vector_load %arg7[%get3A_617] {strides = array<i32>} : memref<13312xf32, #tpu.memory_space<vmem>>, vector<16xf32>,
      %add3A_619 = arith.addf %add3A_612, %get3A_618 : vector<16xf32>
      %mul3A_620 = arith.constant 16 : i32
      %mul3A_621 = arith.muli %scan3A_528, %mul3A_620 : i32
      %swap3A = arith.index_cast %mul3A_621 : i32 to index
      %swap3A_622 = tpu.vector_load %arg8[%swap3A] {strides = array<i32>} : memref<512xf32, #tpu.memory_space<vmem>>, vector<16xf32>,
      tpu.vector_store %arg8[%swap3A], %add3A_619 {strides = array<i32>} : memref<512xf32, #tpu.memory_space<vmem>>, vector<16xf32>,
    }
    %scan3A_511 = arith.constant 32 : i32
    %dma_wait3A_512 = arith.constant 0 : i32
    %dma_wait3A_513 = arith.constant 6656 : i32
    %dma_wait3A_514 = tpu.memref_slice %arg7[%dma_wait3A_513] : memref<13312xf32, #tpu.memory_space<vmem>> -> memref<6656xf32, #tpu.memory_space<vmem>>
    %dma_wait3A_515 = arith.constant 6656 : i32
    %dma_wait3A_516 = tpu.memref_slice %arg6[%dma_wait3A_515] : memref<13312xi32, #tpu.memory_space<vmem>> -> memref<6656xi32, #tpu.memory_space<vmem>>
    %dma_wait3A_517 = arith.constant 0 : i32
    %dma_wait3A_518 = tpu.memref_slice %arg10[%dma_wait3A_512, %dma_wait3A_517] : memref<1x1000000xf32, #tpu.memory_space<vmem_shared>> -> memref<1x1000000xf32, #tpu.memory_space<vmem_shared>>
    %dma_wait3A_519 = tpu.memref_squeeze %dma_wait3A_518 : memref<1x1000000xf32, #tpu.memory_space<vmem_shared>> -> memref<1000000xf32, #tpu.memory_space<vmem_shared>>
    %dma_wait3A_520 = arith.constant 0 : i32
    %dma_wait3A_521 = tpu.memref_slice %dma_wait3A_519[%dma_wait3A_520] : memref<1000000xf32, #tpu.memory_space<vmem_shared>> -> memref<1000000xf32, #tpu.memory_space<vmem_shared>>
    tpu.wait_indirect_dma semaphore(%arg13 : memref<!tpu.dma_semaphore, #tpu.memory_space<semaphore_mem>>) src(%dma_wait3A_521 : memref<1000000xf32, #tpu.memory_space<vmem_shared>>) dst(%dma_wait3A_514 : memref<6656xf32, #tpu.memory_space<vmem>>)
    %scan3A_522 = arith.constant 0 : i32
    %scan3A_523 = arith.constant 0 : i32
    %scan3A_524 = arith.constant 32 : i32
    %scan3A_525 = arith.addi %scan3A_523, %scan3A_524 : i32
    %scan3A_526 = arith.constant 1 : i32
    scf.for %scan3A_528 = %scan3A_523 to %scan3A_525 step %scan3A_526  : i32 {
      %mul3A_529 = arith.constant 16 : i32
      %mul3A_530 = arith.muli %scan3A_528, %mul3A_529 : i32
      %get3A_531 = arith.index_cast %mul3A_530 : i32 to index
      %get3A_532 = tpu.vector_load %arg8[%get3A_531] {strides = array<i32>} : memref<512xf32, #tpu.memory_space<vmem>>, vector<16xf32>,
      %mul3A_533 = arith.constant 16 : i32
      %mul3A_534 = arith.muli %scan3A_528, %mul3A_533 : i32
      %add3A_535 = arith.constant 6656 : i32
      %add3A_536 = arith.addi %add3A_535, %mul3A_534 : i32
      %get3A_537 = arith.index_cast %add3A_536 : i32 to index
      %get3A_538 = tpu.vector_load %arg7[%get3A_537] {strides = array<i32>} : memref<13312xf32, #tpu.memory_space<vmem>>, vector<16xf32>,
      %add3A_539 = arith.addf %get3A_532, %get3A_538 : vector<16xf32>
      %mul3A_540 = arith.constant 16 : i32
      %mul3A_541 = arith.muli %scan3A_528, %mul3A_540 : i32
      %add3A_542 = arith.constant 7168 : i32
      %add3A_543 = arith.addi %add3A_542, %mul3A_541 : i32
      %get3A_544 = arith.index_cast %add3A_543 : i32 to index
      %get3A_545 = tpu.vector_load %arg7[%get3A_544] {strides = array<i32>} : memref<13312xf32, #tpu.memory_space<vmem>>, vector<16xf32>,
      %add3A_546 = arith.addf %add3A_539, %get3A_545 : vector<16xf32>
      %mul3A_547 = arith.constant 16 : i32
      %mul3A_548 = arith.muli %scan3A_528, %mul3A_547 : i32
      %add3A_549 = arith.constant 7680 : i32
      %add3A_550 = arith.addi %add3A_549, %mul3A_548 : i32
      %get3A_551 = arith.index_cast %add3A_550 : i32 to index
      %get3A_552 = tpu.vector_load %arg7[%get3A_551] {strides = array<i32>} : memref<13312xf32, #tpu.memory_space<vmem>>, vector<16xf32>,
      %add3A_553 = arith.addf %add3A_546, %get3A_552 : vector<16xf32>
      %mul3A_554 = arith.constant 16 : i32
      %mul3A_555 = arith.muli %scan3A_528, %mul3A_554 : i32
      %add3A_556 = arith.constant 8192 : i32
      %add3A_557 = arith.addi %add3A_556, %mul3A_555 : i32
      %get3A_558 = arith.index_cast %add3A_557 : i32 to index
      %get3A_559 = tpu.vector_load %arg7[%get3A_558] {strides = array<i32>} : memref<13312xf32, #tpu.memory_space<vmem>>, vector<16xf32>,
      %add3A_560 = arith.addf %add3A_553, %get3A_559 : vector<16xf32>
      %mul3A_561 = arith.constant 16 : i32
      %mul3A_562 = arith.muli %scan3A_528, %mul3A_561 : i32
      %add3A_563 = arith.constant 8704 : i32
      %add3A_564 = arith.addi %add3A_563, %mul3A_562 : i32
      %get3A_565 = arith.index_cast %add3A_564 : i32 to index
      %get3A_566 = tpu.vector_load %arg7[%get3A_565] {strides = array<i32>} : memref<13312xf32, #tpu.memory_space<vmem>>, vector<16xf32>,
      %add3A_567 = arith.addf %add3A_560, %get3A_566 : vector<16xf32>
      %mul3A_568 = arith.constant 16 : i32
      %mul3A_569 = arith.muli %scan3A_528, %mul3A_568 : i32
      %add3A_570 = arith.constant 9216 : i32
      %add3A_571 = arith.addi %add3A_570, %mul3A_569 : i32
      %get3A_572 = arith.index_cast %add3A_571 : i32 to index
      %get3A_573 = tpu.vector_load %arg7[%get3A_572] {strides = array<i32>} : memref<13312xf32, #tpu.memory_space<vmem>>, vector<16xf32>,
      %add3A_574 = arith.addf %add3A_567, %get3A_573 : vector<16xf32>
      %mul3A_575 = arith.constant 16 : i32
      %mul3A_576 = arith.muli %scan3A_528, %mul3A_575 : i32
      %add3A_577 = arith.constant 9728 : i32
      %add3A_578 = arith.addi %add3A_577, %mul3A_576 : i32
      %get3A_579 = arith.index_cast %add3A_578 : i32 to index
      %get3A_580 = tpu.vector_load %arg7[%get3A_579] {strides = array<i32>} : memref<13312xf32, #tpu.memory_space<vmem>>, vector<16xf32>,
      %add3A_581 = arith.addf %add3A_574, %get3A_580 : vector<16xf32>
      %mul3A_582 = arith.constant 16 : i32
      %mul3A_583 = arith.muli %scan3A_528, %mul3A_582 : i32
      %add3A_584 = arith.constant 10240 : i32
      %add3A_585 = arith.addi %add3A_584, %mul3A_583 : i32
      %get3A_586 = arith.index_cast %add3A_585 : i32 to index
      %get3A_587 = tpu.vector_load %arg7[%get3A_586] {strides = array<i32>} : memref<13312xf32, #tpu.memory_space<vmem>>, vector<16xf32>,
      %add3A_588 = arith.addf %add3A_581, %get3A_587 : vector<16xf32>
      %mul3A_589 = arith.constant 16 : i32
      %mul3A_590 = arith.muli %scan3A_528, %mul3A_589 : i32
      %add3A_591 = arith.constant 10752 : i32
      %add3A_592 = arith.addi %add3A_591, %mul3A_590 : i32
      %get3A_593 = arith.index_cast %add3A_592 : i32 to index
      %get3A_594 = tpu.vector_load %arg7[%get3A_593] {strides = array<i32>} : memref<13312xf32, #tpu.memory_space<vmem>>, vector<16xf32>,
      %add3A_595 = arith.addf %add3A_588, %get3A_594 : vector<16xf32>
      %mul3A_596 = arith.constant 16 : i32
      %mul3A_597 = arith.muli %scan3A_528, %mul3A_596 : i32
      %add3A_598 = arith.constant 11264 : i32
      %add3A_599 = arith.addi %add3A_598, %mul3A_597 : i32
      %get3A_600 = arith.index_cast %add3A_599 : i32 to index
      %get3A_601 = tpu.vector_load %arg7[%get3A_600] {strides = array<i32>} : memref<13312xf32, #tpu.memory_space<vmem>>, vector<16xf32>,
      %add3A_602 = arith.addf %add3A_595, %get3A_601 : vector<16xf32>
      %mul3A_603 = arith.constant 16 : i32
      %mul3A_604 = arith.muli %scan3A_528, %mul3A_603 : i32
      %add3A_605 = arith.constant 11776 : i32
      %add3A_606 = arith.addi %add3A_605, %mul3A_604 : i32
      %get3A_607 = arith.index_cast %add3A_606 : i32 to index
      %get3A_608 = tpu.vector_load %arg7[%get3A_607] {strides = array<i32>} : memref<13312xf32, #tpu.memory_space<vmem>>, vector<16xf32>,
      %add3A_609 = arith.addf %add3A_602, %get3A_608 : vector<16xf32>
      %mul3A_610 = arith.constant 16 : i32
      %mul3A_611 = arith.muli %scan3A_528, %mul3A_610 : i32
      %add3A_612 = arith.constant 12288 : i32
      %add3A_613 = arith.addi %add3A_612, %mul3A_611 : i32
      %get3A_614 = arith.index_cast %add3A_613 : i32 to index
      %get3A_615 = tpu.vector_load %arg7[%get3A_614] {strides = array<i32>} : memref<13312xf32, #tpu.memory_space<vmem>>, vector<16xf32>,
      %add3A_616 = arith.addf %add3A_609, %get3A_615 : vector<16xf32>
      %mul3A_617 = arith.constant 16 : i32
      %mul3A_618 = arith.muli %scan3A_528, %mul3A_617 : i32
      %add3A_619 = arith.constant 12800 : i32
      %add3A_620 = arith.addi %add3A_619, %mul3A_618 : i32
      %get3A_621 = arith.index_cast %add3A_620 : i32 to index
      %get3A_622 = tpu.vector_load %arg7[%get3A_621] {strides = array<i32>} : memref<13312xf32, #tpu.memory_space<vmem>>, vector<16xf32>,
      %add3A_623 = arith.addf %add3A_616, %get3A_622 : vector<16xf32>
      %mul3A_624 = arith.constant 16 : i32
      %mul3A_625 = arith.muli %scan3A_528, %mul3A_624 : i32
      %swap3A = arith.index_cast %mul3A_625 : i32 to index
      %swap3A_626 = tpu.vector_load %arg8[%swap3A] {strides = array<i32>} : memref<512xf32, #tpu.memory_space<vmem>>, vector<16xf32>,
      tpu.vector_store %arg8[%swap3A], %add3A_623 {strides = array<i32>} : memref<512xf32, #tpu.memory_space<vmem>>, vector<16xf32>,
    }
    %scan3A_527 = arith.constant 32 : i32
    "tpu.region"() ({
      %run_scoped3A = tpu.sem_alloc : memref<!tpu.dma_semaphore, #tpu.memory_space<semaphore_mem>>
      %dma_start3A_528 = tpu.memref_slice %arg5[%mul3A_2] : memref<16384xf32, #tpu.memory_space<hbm>> -> memref<512xf32, #tpu.memory_space<hbm>>
      %dma_start3A_529 = tpu.memref_slice %arg5[%mul3A_2] : memref<16384xf32, #tpu.memory_space<hbm>> -> memref<512xf32, #tpu.memory_space<hbm>>
      tpu.enqueue_dma source(%arg8 : memref<512xf32, #tpu.memory_space<vmem>>) target(%dma_start3A_529 : memref<512xf32, #tpu.memory_space<hbm>>) target_semaphore(%run_scoped3A : memref<!tpu.dma_semaphore, #tpu.memory_space<semaphore_mem>>)
      %dma_wait3A_530 = tpu.memref_slice %arg5[%mul3A_2] : memref<16384xf32, #tpu.memory_space<hbm>> -> memref<512xf32, #tpu.memory_space<hbm>>
      %dma_wait3A_531 = tpu.memref_slice %arg5[%mul3A_2] : memref<16384xf32, #tpu.memory_space<hbm>> -> memref<512xf32, #tpu.memory_space<hbm>>
      tpu.wait_dma2 semaphore(%run_scoped3A : memref<!tpu.dma_semaphore, #tpu.memory_space<semaphore_mem>>) src(%arg8 : memref<512xf32, #tpu.memory_space<vmem>>) dst(%dma_wait3A_531 : memref<512xf32, #tpu.memory_space<hbm>>)
      tpu.yield
    }) : () -> ()
    return
  }
}

</mosaic_0001>

<sc_bundles>
// kernel: kernel.3.cloned.1.call-start
scs
__scs_entry_jumppad:
0x0: {  	(pc) =	sbr.rel $0x88, $3  }
0x1: {  	(tag) =	ssettag $0x0;
	lr =	simm.s32 $0x1  }
0x2: {  	[smem:$0x3F9E] =	sst lr;
	_ =	strace $0xD0000000  }
0x3: {  	_ = 	snop  }
0x4: {  	_ = 	snop  }
0x5: {  	_ = 	snop  }
0x6: {  	_ = 	snop  }
0x7: {  	_ = 	snop  }
__scs_overlays_trampoline_lowered:
0x8: {  	[smem:$0x3FAD] =	sst s0  }
0x9: {  	[smem:$0x3FAE] =	sst s1  }
0xa: {  	[smem:$0x3FAF] =	sst s2  }
0xb: {  	[smem:$0x3FB0] =	sst s3  }
0xc: {  	[smem:$0x3FB1] =	sst s4  }
0xd: {  	[smem:$0x3FB2] =	sst s5  }
0xe: {  	[smem:$0x3FB3] =	sst s6  }
0xf: {  	[smem:$0x3FB4] =	sst s7  }
0x10: {  	[smem:$0x3FB5] =	sst s8  }
0x11: {  	[smem:$0x3FB6] =	sst s9;
	s0 =	simm.s32 @!p0 $0x0  }
0x12: {  	s1 =	sld [smem:$0x3F9C];
	s0 =	simm.s32 @p0 $0x1  }
0x13: {  	[smem:$0x3FB7] =	sst s0;
	s0 =	simm.s32 @!p1 $0x0  }
0x14: {  	s2 =	sld [smem:$0x3F9B];
	s0 =	simm.s32 @p1 $0x1  }
0x15: {  	[smem:$0x3FB8] =	sst s0;
	s0 =	simm.s32 @!p2 $0x0  }
0x16: {  	s3 =	sld [smem:$0x3FDB];
	s0 =	simm.s32 @p2 $0x1  }
0x17: {  	s4 =	simm.s32 $0x1BF5;
	[smem:$0x3FBA] =	sst s0  }
0x18: {  	s0 =	sld [smem:$0x3F9D];
	_ =	swait.ge [sflag:s4], $0x0  }
0x19: {  	s7 =	sld [smem:$0x3F9E]  }
0x1a: {  	s8 =	sadd.s32 $0xFFFFE003, lr  }
0x1b: {  	s9 =	sadd.s32 $0xFFFFFEF7, lr;
	s5 =	simm.s32 $0xFFFFFFFF;
	p2 =	slt.u32 s8, $0xFFFFF086  }
0x1c: {  	p1 =	slt.u32 s9, $0xF7A;
	s5 =	simm.s32 @!p2 $0x0  }
0x1d: {  	s5 =	simm.s32 @p1 $0x1;
	p0 =	seq.s32 s7, s2  }
0x1e: {  	s7 =	smul.u32 @!p0 $0xF7A, s2;
	p2 =	seq.s32 @!p0 s5, $0x0  }
0x1f: {  	s9 =	smul.u32 $0xF7A, s1;
	s8 =	simm.s32 @!p0 $0x1BF5;
	p2 =	por !p2, p0  }
0x20: {  	[sflag:s8] =	ssyncset.s32 @!p0 $0xFFFFF086;
	s6 =	sadd.s32 @!p0 s3, s7;
	s7 =	simm.s32 @!p0 $0x108  }
0x21: {  	s3 =	sadd.s32 s3, s9;
	s6 =	sadd.s32 @!p0 $0x88, s6;
	s7 =	simm.s32 @p2 $0x1082  }
0x22: {  	[simem:s7], [sflag:s8] =	dma.local @!p0 [hbm:s6], $0xF7A  }
0x23: {  	s9 =	sor.u32 $0xD0000000, s2;
	s6 =	simm.s32 $0x108;
	_ =	swait.ge @!p0 [sflag:s8], $0x0  }
0x24: {  	s3 =	sadd.s32 $0x88, s3;
	s6 =	simm.s32 @!p1 $0x1082;
	[sflag:s4] =	ssyncset.s32 $0xFFFFF086  }
0x25: {  	[simem:s6], [sflag:s4] =	dma.local [hbm:s3], $0xF7A  }
0x26: {  	[smem:$0x3F9E] =	sst s1;
	(tag) =	ssettag s2;
	_ =	strace s9  }
0x27: {  	s1 =	sld [smem:$0x3FAE]  }
0x28: {  	s2 =	sld [smem:$0x3FAF]  }
0x29: {  	s4 =	sld [smem:$0x3FB1]  }
0x2a: {  	p0 =	seq.s32 s5, $0x0;
	s5 =	sld [smem:$0x3FB2]  }
0x2b: {  	s6 =	sld [smem:$0x3FB3]  }
0x2c: {  	s7 =	sld [smem:$0x3FB4]  }
0x2d: {  	s3 =	simm.s32 $0x108;
	s8 =	sld [smem:$0x3FB5]  }
0x2e: {  	s3 =	simm.s32 @!p0 $0x1082;
	s9 =	sld [smem:$0x3FB6]  }
0x2f: {  	lr =	sadd.s32 s0, s3;
	s0 =	sld [smem:$0x3FAD]  }
0x30: {  	s3 =	sld [smem:$0x3FB0]  }
0x31: {  	[smem:$0x3FB9] =	sst s10  }
0x32: {  	s10 =	sld [smem:$0x3FB7];
	_ =	sdelay $0x3  }
0x33: {  	p0 =	seq.s32 s10, $0x1;
	s10 =	sld [smem:$0x3FB9];
	_ =	sdelay $0x3  }
0x34: {  	[smem:$0x3FB9] =	sst s10  }
0x35: {  	s10 =	sld [smem:$0x3FB8];
	_ =	sdelay $0x3  }
0x36: {  	p1 =	seq.s32 s10, $0x1;
	s10 =	sld [smem:$0x3FB9];
	_ =	sdelay $0x3  }
0x37: {  	[smem:$0x3FB9] =	sst s10  }
0x38: {  	s10 =	sld [smem:$0x3FBA]  }
0x39: {  	_ = 	snop;
	(pc) =	sbr.ind lr, $3  }
0x3a: {  	_ = 	snop  }
0x3b: {  	_ = 	snop  }
0x3c: {  	p2 =	seq.s32 s10, $0x1;
	s10 =	sld [smem:$0x3FB9]  }
0x3d: {  	_ =	shalt  }
0x3e: {  	_ =	shalt  }
0x3f: {  	_ =	shalt  }
0x40: {  	_ =	shalt  }
0x41: {  	_ =	shalt  }
0x42: {  	_ =	shalt  }
0x43: {  	_ =	shalt  }
0x44: {  	_ =	shalt  }
0x45: {  	_ =	shalt  }
0x46: {  	_ =	shalt  }
0x47: {  	_ =	shalt  }
0x48: {  	_ =	shalt  }
0x49: {  	_ =	shalt  }
0x4a: {  	_ =	shalt  }
0x4b: {  	_ =	shalt  }
0x4c: {  	_ =	shalt  }
0x4d: {  	_ =	shalt  }
0x4e: {  	_ =	shalt  }
0x4f: {  	_ =	shalt  }
0x50: {  	_ =	shalt  }
0x51: {  	_ =	shalt  }
0x52: {  	_ =	shalt  }
0x53: {  	_ =	shalt  }
0x54: {  	_ =	shalt  }
0x55: {  	_ =	shalt  }
0x56: {  	_ =	shalt  }
0x57: {  	_ =	shalt  }
0x58: {  	_ =	shalt  }
0x59: {  	_ =	shalt  }
0x5a: {  	_ =	shalt  }
0x5b: {  	_ =	shalt  }
0x5c: {  	_ =	shalt  }
0x5d: {  	_ =	shalt  }
0x5e: {  	_ =	shalt  }
0x5f: {  	_ =	shalt  }
0x60: {  	_ =	shalt  }
0x61: {  	_ =	shalt  }
0x62: {  	_ =	shalt  }
0x63: {  	_ =	shalt  }
0x64: {  	_ =	shalt  }
0x65: {  	_ =	shalt  }
0x66: {  	_ =	shalt  }
0x67: {  	_ =	shalt  }
0x68: {  	_ =	shalt  }
0x69: {  	_ =	shalt  }
0x6a: {  	_ =	shalt  }
0x6b: {  	_ =	shalt  }
0x6c: {  	_ =	shalt  }
0x6d: {  	_ =	shalt  }
0x6e: {  	_ =	shalt  }
0x6f: {  	_ =	shalt  }
0x70: {  	_ =	shalt  }
0x71: {  	_ =	shalt  }
0x72: {  	_ =	shalt  }
0x73: {  	_ =	shalt  }
0x74: {  	_ =	shalt  }
0x75: {  	_ =	shalt  }
0x76: {  	_ =	shalt  }
0x77: {  	_ =	shalt  }
0x78: {  	_ =	shalt  }
0x79: {  	_ =	shalt  }
0x7a: {  	_ =	shalt  }
0x7b: {  	_ =	shalt  }
0x7c: {  	_ =	shalt  }
0x7d: {  	_ =	shalt  }
0x7e: {  	_ =	shalt  }
0x7f: {  	_ =	shalt  }
0x80: {  	_ =	shalt  }
0x81: {  	_ =	shalt  }
0x82: {  	_ =	shalt  }
0x83: {  	_ =	shalt  }
0x84: {  	_ =	shalt  }
0x85: {  	_ =	shalt  }
0x86: {  	_ =	shalt  }
0x87: {  	_ =	shalt  }
.Lfunc_end0:
.L_simem_size_0:
called_computation_lowered:
.L_overlay_start_0:
0x88: {  	s2 =	sld [smem:$0x3FD9]  }
0x89: {  	s3 =	sld [smem:$0x3FFE];
	_ =	sdelay $0x1  }
0x8a: {  	s1 =	srdreg.scid  }
0x8b: {  	s0 =	sand.u32 $0x1, s1  }
0x8c: {  	s18 =	sshll.u32 s0, $0xA;
	s2 =	sadd.s32 s3, s2  }
0x8d: {  	s2 =	sadd.s32 s2, s18  }
0x8e: {  	[smem:$0x3FC5] =	sst s2  }
0x8f: {  	_ = 	snop  }
0x90: {  	s2 =	sld [smem:$0x3FC9]  }
0x91: {  	s19 =	sld [smem:$0x3FC8]  }
0x92: {  	s4 =	sld [smem:$0x3FC7]  }
0x93: {  	s5 =	sld [smem:$0x3FD0];
	(tm) =	ssettm $0x1  }
0x94: {  	s6 =	sld [smem:$0x3FFB];
	_ =	sdelay $0x3  }
0x95: {  	_ =	strace s6  }
0x96: {  	s6 =	sld [smem:$0x3FFC];
	_ =	sdelay $0x3  }
0x97: {  	_ =	strace s6  }
0x98: {  	s6 =	sld [smem:$0x3FFD];
	_ =	sdelay $0x3  }
0x99: {  	_ =	strace s6  }
0x9a: {  	_ =	strace $0x8FFFFFFF  }
0x9b: {  	s20 =	sld [smem:$0x3FDB];
	_ =	sdelay $0x1  }
0x9c: {  	s7 =	simm.s32 $_scs_section_size  }
0x9d: {  	s8 =	simm.s32 $_size__tile_overlayer_lowered;
	s9 =	simm.s32 $_tile_overlayer_lowered  }
0x9e: {  	s23 =	simm.s32 $0x1BFF;
	s22 =	sshll.u32 s9, $0x1;
	s6 =	sadd.s32 s7, s20  }
0x9f: {  	s10 =	simm.s32 $0x0;
	s21 =	sshll.u32 s8, $0x1;
	s8 =	sadd.s32 s22, s6  }
0xa0: {  	[timem:s10], [sflag:s23] =	dma.local [hbm:s8], s21  }
0xa1: {  	_ =	swait.ge [sflag:s23], s21  }
0xa2: {  	s7 =	ssub.s32 $0x0, s21;
	[sflag:s23] =	ssyncset.done $0x0  }
0xa3: {  	[sflag:s23] =	ssyncadd.s32 s7;
	_ =	sdelay $0x1  }
0xa4: {  	s24 =	simm.s32 $0x1B8B  }
0xa5: {  	_ =	swait.ge [sflag:s24], $0x1  }
0xa6: {  	[sflag:s24] =	ssyncset.done $0x0  }
0xa7: {  	s25 =	simm.s32 $0x1B8E;
	[sflag:s24] =	ssyncadd.s32 $0xFFFFFFFF  }
0xa8: {  	s26 =	simm.s32 $execute0_lowered;
	[smem:$0x3FD2] =	sst s25  }
0xa9: {  	s7 =	sshll.u32 s26, $0x1;
	_ =	strace $0x80000046;
	[dreg:$0x1] =	wrdreg $0xFFFFFFFF  }
0xaa: {  	s28 =	simm.s32 $_size_execute0_lowered;
	s6 =	sadd.s32 s6, s7;
	[dreg:$0x0] =	wrdreg $0x0  }
0xab: {  	s7 =	sshll.u32 s28, $0x1;
	[dreg:$0x2] =	wrdreg s6  }
0xac: {  	[dreg:$0x3] =	wrdreg s7  }
0xad: {  	[dreg:$0x4] =	wrdreg $0xC0  }
0xae: {  	_ =	task [dreg:s10], $0x5FFFF  }
0xaf: {  	[dreg:$0x1] =	wrdreg $0xFFFFFFFF  }
0xb0: {  	[dreg:$0x0] =	wrdreg $0x60  }
0xb1: {  	[dreg:$0x2] =	wrdreg s2  }
0xb2: {  	[dreg:$0x3] =	wrdreg s19  }
0xb3: {  	[dreg:$0x4] =	wrdreg s4  }
0xb4: {  	[dreg:$0x5] =	wrdreg s5  }
0xb5: {  	[dreg:$0x6] =	wrdreg $0x6A800  }
0xb6: {  	[dreg:$0x7] =	wrdreg $0x9  }
0xb7: {  	_ =	task.clear_ibuf [dreg:s10], $0x8FFFF;
	_ =	strace $0x90000046  }
0xb8: {  	s29 =	simm.s32 $0x9;
	_ =	strace $0x80000048  }
0xb9: {  	_ =	swait.ge [sflag:s29], $0x1  }
0xba: {  	[sflag:s29] =	ssyncadd.s32 $0xFFFFFFFF  }
0xbb: {  	_ =	strace $0x90000048  }
0xbc: {  	_ =	sfence  }
0xbd: {  	s30 =	sld [smem:$0x0];
	_ =	sdelay $0x2  }
0xbe: {  	s31 =	sshll.u32 s1, $0xD;
	s1 =	sshrl.u32 s1, $0x2  }
0xbf: {  	s3 =	sand.u32 $0x4000, s31;
	s1 =	sadd.s32 s1, s30  }
0xc0: {  	s0 =	sor.u32 s3, s0;
	s1 =	sshll.u32 s1, $0x11  }
0xc1: {  	s0 =	sor.u32 s1, s0  }
0xc2: {  	s0 =	sadd.s32 $0x8F2B, s0  }
0xc3: {  	[sflag:s0] =	ssyncadd.remote.s32 $0x1  }
0xc4: {  	_ =	sfence.sel $0xFFFF  }
0xc5: {  	[dreg:$0x0] =	wrdreg $0xFFFFFFFF;
	(pc) =	sbr.abs _section_cstart, $3  }
0xc6: {  	[dreg:$0x1] =	wrdreg $0xFFFFFFFF  }
0xc7: {  	_ =	task.clear_ibuf [dreg:s10], $0x2FFFF;
	_ =	strace $0x9FFFFFFF  }
0xc8: {  	(tm) =	ssettm $0x7FFFFFFF  }
0xc9: {  	_ =	shalt  }
tec
execute0_lowered:
.L_overlay_start_1:
0x0: {  	(tag) =	ssettag $0x1  }
0x1: {  	s0 =	rddreg [dreg:$0x0]  }
0x2: {  	s1 =	rddreg [dreg:$0x3]  }
0x3: {  	s2 =	srdreg.scid;
	s3 =	stileid.u32  }
0x4: {  	s4 =	simm.s32 $0x0;
	s8 =	simm.s32 $0x2;
	s2 =	sand.u32 $0x1, s2  }
0x5: {  	s9 =	simm.s32 $0x3400;
	s5 =	sshll.u32 s3, $0xA;
	s6 =	sshll.u32 s2, $0x9  }
0x6: {  	s10 =	simm.s32 $0x3;
	s11 =	simm.s32 $0x1;
	s6 =	sor.u32 s6, s5  }
0x7: {  	[smem:$0x7FF] =	sst s4;
	p0 =	sne.s32 s3, $0x0;
	s5 =	sadd.s32 s0, s6  }
0x8: {  	s3 =	simm.s32 $0x400;
	s2 =	ssub.s32 $0x2, s2;
	s13 =	sadd.s32 $0x10, s5  }
0x9: {  	_ =	strace $0x80000047;
	s14 =	sadd.s32 $0x20, s5;
	[dreg:$0x6] =	wrdreg s13  }
0xa: {  	s7 =	sshrl.u32 s2, $0x1;
	s15 =	sadd.s32 $0x30, s5;
	[dreg:$0x7] =	wrdreg s14  }
0xb: {  	s12 =	ssub.s32 s2, s7;
	s16 =	sadd.s32 $0x40, s5;
	[dreg:$0x8] =	wrdreg s15  }
0xc: {  	s26 =	sshrl.u32 s6, $0x3;
	s17 =	sadd.s32 $0x50, s5;
	[dreg:$0x9] =	wrdreg s16  }
0xd: {  	s0 =	simm.s32 $0x80;
	s18 =	sadd.s32 $0x60, s5;
	[dreg:$0xa] =	wrdreg s17  }
0xe: {  	s6 =	simm.s32 $0x1A00;
	s19 =	sadd.s32 $0x70, s5;
	[dreg:$0xb] =	wrdreg s18  }
0xf: {  	s7 =	simm.s32 $0x5;
	s20 =	sadd.s32 $0x4000, s5;
	[dreg:$0xc] =	wrdreg s19  }
0x10: {  	s21 =	sadd.s32 $0x4010, s5;
	s22 =	sadd.s32 $0x4020, s5;
	[dreg:$0xd] =	wrdreg s20  }
0x11: {  	s23 =	sadd.s32 $0x4030, s5;
	s24 =	sadd.s32 $0x4040, s5;
	[dreg:$0xe] =	wrdreg s21  }
0x12: {  	s25 =	sadd.s32 $0x4050, s5;
	s28 =	sadd.s32 $0x8040, s5;
	[dreg:$0xf] =	wrdreg s22  }
0x13: {  	s29 =	sadd.s32 $0x8050, s5;
	s30 =	sadd.s32 $0x8060, s5;
	[dreg:$0x10] =	wrdreg s23  }
0x14: {  	s31 =	sadd.s32 $0x8070, s5;
	s2 =	sadd.s32 $0xC000, s5;
	[dreg:$0x11] =	wrdreg s24  }
0x15: {  	[dreg:$0x12] =	wrdreg s25;
	s19 =	sadd.s32 $0x4060, s5;
	s20 =	sadd.s32 $0x4070, s5  }
0x16: {  	s21 =	sadd.s32 $0x8000, s5;
	s22 =	sadd.s32 s1, s26;
	s23 =	sadd.s32 $0x8010, s5  }
0x17: {  	s24 =	sadd.s32 $0x8020, s5;
	s25 =	smax.u32 s12, $0x1;
	s26 =	sadd.s32 $0x8030, s5  }
0x18: {  	s1 =	sadd.s32 $0xC010, s5;
	s12 =	simm.s32 $0x6800;
	s13 =	simm.s32 $0x0  }
.LBB2_1:
0x19: {  	[tilespmem:s4], [sflag:$0x2] =	stream.strided.gather [hbm4b:s5+s0], $0x200, s3, s0, $0x38;
	[tilespmem:$0x15EA8] =	vst v63  }
0x1a: {  	s14 =	rddreg [dreg:$0x6];
	s15 =	simm.s32 $0x200  }
0x1b: {  	[tilespmem:s15], [sflag:$0x2] =	stream.strided.gather [hbm4b:s14+s0], $0x200, s3, s0, $0x38;
	[tilespmem:$0x15EA8] =	vst v63  }
0x1c: {  	s18 =	rddreg [dreg:$0x7]  }
0x1d: {  	[tilespmem:s3], [sflag:$0x2] =	stream.strided.gather [hbm4b:s18+s0], $0x200, s3, s0, $0x38;
	[tilespmem:$0x15EA8] =	vst v63  }
0x1e: {  	s16 =	simm.s32 $0x600;
	s15 =	rddreg [dreg:$0x8]  }
0x1f: {  	[tilespmem:s16], [sflag:$0x2] =	stream.strided.gather [hbm4b:s15+s0], $0x200, s3, s0, $0x38;
	[tilespmem:$0x15EA8] =	vst v63  }
0x20: {  	s17 =	rddreg [dreg:$0x9];
	s18 =	simm.s32 $0x800  }
0x21: {  	[tilespmem:s18], [sflag:$0x2] =	stream.strided.gather [hbm4b:s17+s0], $0x200, s3, s0, $0x38;
	[tilespmem:$0x15EA8] =	vst v63  }
0x22: {  	s15 =	rddreg [dreg:$0xa];
	s16 =	simm.s32 $0xA00  }
0x23: {  	[tilespmem:s16], [sflag:$0x2] =	stream.strided.gather [hbm4b:s15+s0], $0x200, s3, s0, $0x38;
	[tilespmem:$0x15EA8] =	vst v63  }
0x24: {  	s17 =	rddreg [dreg:$0xb];
	s18 =	simm.s32 $0xC00  }
0x25: {  	[tilespmem:s18], [sflag:$0x2] =	stream.strided.gather [hbm4b:s17+s0], $0x200, s3, s0, $0x38;
	[tilespmem:$0x15EA8] =	vst v63  }
0x26: {  	s15 =	rddreg [dreg:$0xc];
	s16 =	simm.s32 $0xE00  }
0x27: {  	[tilespmem:s16], [sflag:$0x2] =	stream.strided.gather [hbm4b:s15+s0], $0x200, s3, s0, $0x38;
	[tilespmem:$0x15EA8] =	vst v63  }
0x28: {  	s17 =	rddreg [dreg:$0xd];
	s18 =	simm.s32 $0x1000  }
0x29: {  	[tilespmem:s18], [sflag:$0x2] =	stream.strided.gather [hbm4b:s17+s0], $0x200, s3, s0, $0x38;
	[tilespmem:$0x15EA8] =	vst v63  }
0x2a: {  	s15 =	rddreg [dreg:$0xe];
	s16 =	simm.s32 $0x1200  }
0x2b: {  	[tilespmem:s16], [sflag:$0x2] =	stream.strided.gather [hbm4b:s15+s0], $0x200, s3, s0, $0x38;
	[tilespmem:$0x15EA8] =	vst v63  }
0x2c: {  	s17 =	rddreg [dreg:$0xf];
	s18 =	simm.s32 $0x1400  }
0x2d: {  	[tilespmem:s18], [sflag:$0x2] =	stream.strided.gather [hbm4b:s17+s0], $0x200, s3, s0, $0x38;
	[tilespmem:$0x15EA8] =	vst v63  }
0x2e: {  	s15 =	rddreg [dreg:$0x10];
	s16 =	simm.s32 $0x1600  }
0x2f: {  	[tilespmem:s16], [sflag:$0x2] =	stream.strided.gather [hbm4b:s15+s0], $0x200, s3, s0, $0x38;
	[tilespmem:$0x15EA8] =	vst v63  }
0x30: {  	s17 =	rddreg [dreg:$0x11];
	s18 =	simm.s32 $0x1800  }
0x31: {  	[tilespmem:s18], [sflag:$0x2] =	stream.strided.gather [hbm4b:s17+s0], $0x200, s3, s0, $0x38;
	[tilespmem:$0x15EA8] =	vst v63  }
0x32: {  	s16 =	rddreg [dreg:$0x12]  }
0x33: {  	[tilespmem:s6], [sflag:$0x3] =	stream.strided.gather [hbm4b:s16+s0], $0x200, s3, s0, $0x38;
	[tilespmem:$0x15EA8] =	vst v63  }
0x34: {  	s17 =	simm.s32 $0x1C00  }
0x35: {  	[tilespmem:s17], [sflag:$0x3] =	stream.strided.gather [hbm4b:s19+s0], $0x200, s3, s0, $0x38;
	[tilespmem:$0x15EA8] =	vst v63  }
0x36: {  	s18 =	simm.s32 $0x1E00  }
0x37: {  	[tilespmem:s18], [sflag:$0x3] =	stream.strided.gather [hbm4b:s20+s0], $0x200, s3, s0, $0x38;
	[tilespmem:$0x15EA8] =	vst v63  }
0x38: {  	s15 =	simm.s32 $0x2000  }
0x39: {  	[tilespmem:s15], [sflag:$0x3] =	stream.strided.gather [hbm4b:s21+s0], $0x200, s3, s0, $0x38;
	[tilespmem:$0x15EA8] =	vst v63  }
0x3a: {  	s16 =	simm.s32 $0x2200  }
0x3b: {  	[tilespmem:s16], [sflag:$0x3] =	stream.strided.gather [hbm4b:s23+s0], $0x200, s3, s0, $0x38;
	[tilespmem:$0x15EA8] =	vst v63  }
0x3c: {  	s17 =	simm.s32 $0x2400  }
0x3d: {  	[tilespmem:s17], [sflag:$0x3] =	stream.strided.gather [hbm4b:s24+s0], $0x200, s3, s0, $0x38;
	[tilespmem:$0x15EA8] =	vst v63  }
0x3e: {  	s18 =	simm.s32 $0x2600  }
0x3f: {  	[tilespmem:s18], [sflag:$0x3] =	stream.strided.gather [hbm4b:s26+s0], $0x200, s3, s0, $0x38;
	[tilespmem:$0x15EA8] =	vst v63  }
0x40: {  	s15 =	simm.s32 $0x2800  }
0x41: {  	[tilespmem:s15], [sflag:$0x3] =	stream.strided.gather [hbm4b:s28+s0], $0x200, s3, s0, $0x38;
	[tilespmem:$0x15EA8] =	vst v63  }
0x42: {  	s16 =	simm.s32 $0x2A00  }
0x43: {  	[tilespmem:s16], [sflag:$0x3] =	stream.strided.gather [hbm4b:s29+s0], $0x200, s3, s0, $0x38;
	[tilespmem:$0x15EA8] =	vst v63  }
0x44: {  	s17 =	simm.s32 $0x2C00  }
0x45: {  	[tilespmem:s17], [sflag:$0x3] =	stream.strided.gather [hbm4b:s30+s0], $0x200, s3, s0, $0x38;
	[tilespmem:$0x15EA8] =	vst v63  }
0x46: {  	s18 =	simm.s32 $0x2E00  }
0x47: {  	[tilespmem:s18], [sflag:$0x3] =	stream.strided.gather [hbm4b:s31+s0], $0x200, s3, s0, $0x38;
	[tilespmem:$0x15EA8] =	vst v63  }
0x48: {  	s15 =	simm.s32 $0x3000  }
0x49: {  	[tilespmem:s15], [sflag:$0x3] =	stream.strided.gather [hbm4b:s2+s0], $0x200, s3, s0, $0x38;
	[tilespmem:$0x15EA8] =	vst v63  }
0x4a: {  	s16 =	simm.s32 $0x3200  }
0x4b: {  	[tilespmem:s16], [sflag:$0x3] =	stream.strided.gather [hbm4b:s1+s0], $0x200, s3, s0, $0x38;
	[tilespmem:$0x15EA8] =	vst v63  }
0x4c: {  	s17 =	rddreg [dreg:$0x2];
	s18 =	simm.s32 $0x6A00  }
0x4d: {  	[tilespmem:s18], [sflag:$0x5] =	stream.linear.gather [hbm4b:s17+s4], $0x1, $0x38;
	[tilespmem:$0x15EA8] =	vst v63  }
0x4e: {  	_ =	swait.ge [sflag:s7], $0x1  }
0x4f: {  	[sflag:s7] =	ssyncset.done $0x0  }
0x50: {  	[sflag:s7] =	ssyncadd.s32 $0xFFFFFFFF  }
0x51: {  	s17 =	rddreg [dreg:$0x4]  }
0x52: {  	s15 =	simm.s32 @!p0 $0x1C04;
	s16 =	rddreg [dreg:$0x1];
	s14 =	sshrl.u32 @!p0 s17, $0x3  }
0x53: {  	[spmem:s14], [sflag:s15] =	dma.local @!p0 [hbm:s16], $0x1E850  }
0x54: {  	_ =	swait.ge [sflag:s8], $0x200  }
0x55: {  	[sflag:s8] =	ssyncset.done $0x0  }
0x56: {  	[sflag:s8] =	ssyncadd.s32 $0xFFFFFE00  }
0x57: {  	_ =	swait.ge [sflag:s8], $0x200  }
0x58: {  	[sflag:s8] =	ssyncset.done $0x0  }
0x59: {  	[sflag:s8] =	ssyncadd.s32 $0xFFFFFE00  }
0x5a: {  	_ =	swait.ge [sflag:s8], $0x200  }
0x5b: {  	[sflag:s8] =	ssyncset.done $0x0  }
0x5c: {  	[sflag:s8] =	ssyncadd.s32 $0xFFFFFE00  }
0x5d: {  	_ =	swait.ge [sflag:s8], $0x200  }
0x5e: {  	[sflag:s8] =	ssyncset.done $0x0  }
0x5f: {  	[sflag:s8] =	ssyncadd.s32 $0xFFFFFE00  }
0x60: {  	_ =	swait.ge [sflag:s8], $0x200  }
0x61: {  	[sflag:s8] =	ssyncset.done $0x0  }
0x62: {  	[sflag:s8] =	ssyncadd.s32 $0xFFFFFE00  }
0x63: {  	_ =	swait.ge [sflag:s8], $0x200  }
0x64: {  	[sflag:s8] =	ssyncset.done $0x0  }
0x65: {  	[sflag:s8] =	ssyncadd.s32 $0xFFFFFE00  }
0x66: {  	_ =	swait.ge [sflag:s8], $0x200  }
0x67: {  	[sflag:s8] =	ssyncset.done $0x0  }
0x68: {  	[sflag:s8] =	ssyncadd.s32 $0xFFFFFE00  }
0x69: {  	_ =	swait.ge [sflag:s8], $0x200  }
0x6a: {  	[sflag:s8] =	ssyncset.done $0x0  }
0x6b: {  	[sflag:s8] =	ssyncadd.s32 $0xFFFFFE00  }
0x6c: {  	_ =	swait.ge [sflag:s8], $0x200  }
0x6d: {  	[sflag:s8] =	ssyncset.done $0x0  }
0x6e: {  	[sflag:s8] =	ssyncadd.s32 $0xFFFFFE00  }
0x6f: {  	_ =	swait.ge [sflag:s8], $0x200  }
0x70: {  	[sflag:s8] =	ssyncset.done $0x0  }
0x71: {  	[sflag:s8] =	ssyncadd.s32 $0xFFFFFE00  }
0x72: {  	_ =	swait.ge [sflag:s8], $0x200  }
0x73: {  	[sflag:s8] =	ssyncset.done $0x0  }
0x74: {  	[sflag:s8] =	ssyncadd.s32 $0xFFFFFE00  }
0x75: {  	_ =	swait.ge [sflag:s8], $0x200  }
0x76: {  	[sflag:s8] =	ssyncset.done $0x0  }
0x77: {  	[sflag:s8] =	ssyncadd.s32 $0xFFFFFE00  }
0x78: {  	_ =	swait.ge [sflag:s8], $0x200  }
0x79: {  	[sflag:s8] =	ssyncset.done $0x0  }
0x7a: {  	[sflag:s8] =	ssyncadd.s32 $0xFFFFFE00  }
0x7b: {  	[tilespmem:s9], [sflag:$0x1] =	stream.indirect.gather [hbm4b:s16+s6], $0x1, s4, s6, $0xb8;
	[tilespmem:$0x15EA8] =	vst v63  }
0x7c: {  	_ =	swait.ge [sflag:s10], $0x200  }
0x7d: {  	[sflag:s10] =	ssyncset.done $0x0  }
0x7e: {  	[sflag:s10] =	ssyncadd.s32 $0xFFFFFE00  }
0x7f: {  	_ =	swait.ge [sflag:s10], $0x200  }
0x80: {  	[sflag:s10] =	ssyncset.done $0x0  }
0x81: {  	[sflag:s10] =	ssyncadd.s32 $0xFFFFFE00  }
0x82: {  	_ =	swait.ge [sflag:s10], $0x200  }
0x83: {  	[sflag:s10] =	ssyncset.done $0x0  }
0x84: {  	[sflag:s10] =	ssyncadd.s32 $0xFFFFFE00  }
0x85: {  	_ =	swait.ge [sflag:s10], $0x200  }
0x86: {  	[sflag:s10] =	ssyncset.done $0x0  }
0x87: {  	[sflag:s10] =	ssyncadd.s32 $0xFFFFFE00  }
0x88: {  	_ =	swait.ge [sflag:s10], $0x200  }
0x89: {  	[sflag:s10] =	ssyncset.done $0x0  }
0x8a: {  	[sflag:s10] =	ssyncadd.s32 $0xFFFFFE00  }
0x8b: {  	_ =	swait.ge [sflag:s10], $0x200  }
0x8c: {  	[sflag:s10] =	ssyncset.done $0x0  }
0x8d: {  	[sflag:s10] =	ssyncadd.s32 $0xFFFFFE00  }
0x8e: {  	_ =	swait.ge [sflag:s10], $0x200  }
0x8f: {  	[sflag:s10] =	ssyncset.done $0x0  }
0x90: {  	[sflag:s10] =	ssyncadd.s32 $0xFFFFFE00  }
0x91: {  	_ =	swait.ge [sflag:s10], $0x200  }
0x92: {  	[sflag:s10] =	ssyncset.done $0x0  }
0x93: {  	[sflag:s10] =	ssyncadd.s32 $0xFFFFFE00  }
0x94: {  	_ =	swait.ge [sflag:s10], $0x200  }
0x95: {  	[sflag:s10] =	ssyncset.done $0x0  }
0x96: {  	[sflag:s10] =	ssyncadd.s32 $0xFFFFFE00  }
0x97: {  	_ =	swait.ge [sflag:s10], $0x200  }
0x98: {  	[sflag:s10] =	ssyncset.done $0x0  }
0x99: {  	[sflag:s10] =	ssyncadd.s32 $0xFFFFFE00  }
0x9a: {  	_ =	swait.ge [sflag:s10], $0x200  }
0x9b: {  	[sflag:s10] =	ssyncset.done $0x0  }
0x9c: {  	[sflag:s10] =	ssyncadd.s32 $0xFFFFFE00  }
0x9d: {  	_ =	swait.ge [sflag:s10], $0x200  }
0x9e: {  	[sflag:s10] =	ssyncset.done $0x0  }
0x9f: {  	[sflag:s10] =	ssyncadd.s32 $0xFFFFFE00  }
0xa0: {  	_ =	swait.ge [sflag:s10], $0x200  }
0xa1: {  	[sflag:s10] =	ssyncset.done $0x0  }
0xa2: {  	s14 =	simm.s32 @!p0 $0x4;
	[sflag:s10] =	ssyncadd.s32 $0xFFFFFE00  }
0xa3: {  	_ =	swait.ge @!p0 [sflag:s14], $0x1E850  }
0xa4: {  	[sflag:s14] =	ssyncset.done @!p0 $0x0  }
0xa5: {  	[sflag:s14] =	ssyncadd.s32 @!p0 $0xFFFE17B0  }
0xa6: {  	s16 =	simm.s32 $0x4E00;
	[bflag:$0x0] =	sbarrier.arrive $0xFFFF  }
0xa7: {  	[tilespmem:s16], [sflag:$0x3] =	stream.indirect.gather [spmem:s17], $0x1, s6, s6, $0xb8;
	[tilespmem:$0x15EA8] =	vst v63  }
0xa8: {  	v0 =	vld.msk [tilespmem:$0x6A00 ss:$0x0], $0xffff;
	_ =	swait.ge [sflag:s11], $0x1A00  }
0xa9: {  	[sflag:s11] =	ssyncset.done $0x0  }
0xaa: {  	[sflag:s11] =	ssyncadd.s32 $0xFFFFE600  }
0xab: {  	v1 =	vld [tilespmem:s9+$0x0]  }
0xac: {  	s18 =	sand.u32 $0x1F0, s4  }
0xad: {  	v2 =	vld [tilespmem:s18+$0x3600];
	_ =	sdelay $0x1  }
0xae: {  	v3 =	vld [tilespmem:s18+$0x3800]  }
0xaf: {  	v1 =	vadd.f32 v1, v0  }
0xb0: {  	v4 =	vld [tilespmem:s18+$0x3A00]  }
0xb1: {  	v1 =	vadd.f32 v2, v1  }
0xb2: {  	v2 =	vld [tilespmem:s18+$0x3C00]  }
0xb3: {  	v1 =	vadd.f32 v3, v1  }
0xb4: {  	v3 =	vld [tilespmem:s18+$0x3E00]  }
0xb5: {  	v1 =	vadd.f32 v4, v1  }
0xb6: {  	v61 =	vld [tilespmem:s18+$0x4000]  }
0xb7: {  	v1 =	vadd.f32 v2, v1  }
0xb8: {  	v2 =	vld [tilespmem:s18+$0x4200]  }
0xb9: {  	v1 =	vadd.f32 v3, v1  }
0xba: {  	v3 =	vld [tilespmem:s18+$0x4400]  }
0xbb: {  	v1 =	vadd.f32 v61, v1  }
0xbc: {  	v62 =	vld [tilespmem:s18+$0x4600]  }
0xbd: {  	v1 =	vadd.f32 v2, v1  }
0xbe: {  	v2 =	vld [tilespmem:s18+$0x4800]  }
0xbf: {  	v1 =	vadd.f32 v3, v1  }
0xc0: {  	v3 =	vld [tilespmem:s18+$0x4A00]  }
0xc1: {  	v1 =	vadd.f32 v62, v1  }
0xc2: {  	v63 =	vld [tilespmem:s18+$0x4C00]  }
0xc3: {  	v1 =	vadd.f32 v2, v1;
	_ =	sdelay $0x1  }
0xc4: {  	v1 =	vadd.f32 v3, v1;
	_ =	sdelay $0x1  }
0xc5: {  	v1 =	vadd.f32 v63, v1;
	_ =	sdelay $0x1  }
0xc6: {  	s15 =	simm.s32 $0x3410;
	[tilespmem:s12+$0x0] =	vst v1  }
0xc7: {  	s14 =	simm.s32 $0x6800;
	s16 =	simm.s32 $0x10;
	s17 =	simm.s32 $0x20;
	v1 =	vld [tilespmem:s15+$0x0]  }
.LBB2_2:
0xc8: {  	p1 =	sne.s32 s17, $0x1F0;
	s18 =	sand.u32 $0x1F0, s16;
	s16 =	smov.u32 s17  }
0xc9: {  	v2 =	vld [tilespmem:s18+$0x3600];
	_ =	sdelay $0x1  }
0xca: {  	v3 =	vld [tilespmem:s18+$0x3800]  }
0xcb: {  	v1 =	vadd.f32 v1, v0  }
0xcc: {  	v4 =	vld [tilespmem:s18+$0x3A00]  }
0xcd: {  	v1 =	vadd.f32 v2, v1  }
0xce: {  	v2 =	vld [tilespmem:s18+$0x3C00]  }
0xcf: {  	v1 =	vadd.f32 v3, v1  }
0xd0: {  	v3 =	vld [tilespmem:s18+$0x3E00]  }
0xd1: {  	v1 =	vadd.f32 v4, v1  }
0xd2: {  	v4 =	vld [tilespmem:s18+$0x4000]  }
0xd3: {  	v1 =	vadd.f32 v2, v1  }
0xd4: {  	v2 =	vld [tilespmem:s18+$0x4200]  }
0xd5: {  	v1 =	vadd.f32 v3, v1  }
0xd6: {  	v3 =	vld [tilespmem:s18+$0x4400]  }
0xd7: {  	v1 =	vadd.f32 v4, v1  }
0xd8: {  	v4 =	vld [tilespmem:s18+$0x4600]  }
0xd9: {  	v1 =	vadd.f32 v2, v1  }
0xda: {  	v2 =	vld [tilespmem:s18+$0x4800]  }
0xdb: {  	v1 =	vadd.f32 v3, v1  }
0xdc: {  	v3 =	vld [tilespmem:s18+$0x4A00]  }
0xdd: {  	v1 =	vadd.f32 v4, v1  }
0xde: {  	v4 =	vld [tilespmem:s18+$0x4C00]  }
0xdf: {  	v1 =	vadd.f32 v2, v1;
	_ =	sdelay $0x1  }
0xe0: {  	v1 =	vadd.f32 v3, v1  }
.Ltmp0:
0xe1: {  	(pc) =	sbr.rel @p1 .LBB2_2-.Ltmp0, $4  }
0xe2: {  	v1 =	vadd.f32 v4, v1  }
0xe3: {  	s14 =	sadd.s32 $0x10, s14  }
0xe4: {  	s15 =	sadd.s32 $0x10, s15;
	[tilespmem:s14+$0x0] =	vst v1  }
0xe5: {  	s17 =	sadd.s32 $0x10, s17;
	v1 =	vld [tilespmem:s15+$0x0]  }
0xe6: {  	s15 =	sand.u32 $0x1F0, s16  }
0xe7: {  	v2 =	vld [tilespmem:s15+$0x3600];
	_ =	sdelay $0x1  }
0xe8: {  	v3 =	vld [tilespmem:s15+$0x3800]  }
0xe9: {  	v0 =	vadd.f32 v1, v0  }
0xea: {  	v1 =	vld [tilespmem:s15+$0x3A00]  }
0xeb: {  	v0 =	vadd.f32 v2, v0  }
0xec: {  	v2 =	vld [tilespmem:s15+$0x3C00]  }
0xed: {  	v0 =	vadd.f32 v3, v0  }
0xee: {  	v3 =	vld [tilespmem:s15+$0x3E00]  }
0xef: {  	v0 =	vadd.f32 v1, v0  }
0xf0: {  	v1 =	vld [tilespmem:s15+$0x4000]  }
0xf1: {  	v0 =	vadd.f32 v2, v0  }
0xf2: {  	v2 =	vld [tilespmem:s15+$0x4200]  }
0xf3: {  	v0 =	vadd.f32 v3, v0  }
0xf4: {  	v3 =	vld [tilespmem:s15+$0x4400]  }
0xf5: {  	v0 =	vadd.f32 v1, v0  }
0xf6: {  	v1 =	vld [tilespmem:s15+$0x4600]  }
0xf7: {  	v0 =	vadd.f32 v2, v0  }
0xf8: {  	v2 =	vld [tilespmem:s15+$0x4800]  }
0xf9: {  	v0 =	vadd.f32 v3, v0  }
0xfa: {  	v3 =	vld [tilespmem:s15+$0x4A00]  }
0xfb: {  	v0 =	vadd.f32 v1, v0  }
0xfc: {  	v1 =	vld [tilespmem:s15+$0x4C00]  }
0xfd: {  	v0 =	vadd.f32 v2, v0;
	_ =	sdelay $0x1  }
0xfe: {  	v0 =	vadd.f32 v3, v0;
	_ =	sdelay $0x1  }
0xff: {  	v0 =	vadd.f32 v1, v0  }
0x100: {  	s14 =	sadd.s32 $0x10, s14  }
0x101: {  	[tilespmem:s14+$0x0] =	vst v0  }
0x102: {  	_ =	swait.ge [sflag:s10], $0x1A00  }
0x103: {  	s18 =	simm.s32 $0x0;
	[sflag:s10] =	ssyncset.done $0x0  }
0x104: {  	s15 =	sand.u32 $0x1F0, s18;
	[sflag:s10] =	ssyncadd.s32 $0xFFFFE600  }
0x105: {  	s16 =	simm.s32 $0x10;
	s14 =	simm.s32 $0x6800;
	v0 =	vld [tilespmem:s15+$0x4E00]  }
.LBB2_4:
0x106: {  	p1 =	sne.s32 s16, $0x1F0;
	v1 =	vld [tilespmem:s14+$0x0];
	_ =	sdelay $0x1  }
0x107: {  	v2 =	vld [tilespmem:s15+$0x5000];
	_ =	sdelay $0x1  }
0x108: {  	v3 =	vld [tilespmem:s15+$0x5200]  }
0x109: {  	v0 =	vadd.f32 v0, v1  }
0x10a: {  	v1 =	vld [tilespmem:s15+$0x5400]  }
0x10b: {  	v0 =	vadd.f32 v2, v0  }
0x10c: {  	v2 =	vld [tilespmem:s15+$0x5600]  }
0x10d: {  	v0 =	vadd.f32 v3, v0  }
0x10e: {  	v3 =	vld [tilespmem:s15+$0x5800]  }
0x10f: {  	v0 =	vadd.f32 v1, v0  }
0x110: {  	v1 =	vld [tilespmem:s15+$0x5A00]  }
0x111: {  	v0 =	vadd.f32 v2, v0  }
0x112: {  	v2 =	vld [tilespmem:s15+$0x5C00]  }
0x113: {  	v0 =	vadd.f32 v3, v0  }
0x114: {  	v3 =	vld [tilespmem:s15+$0x5E00]  }
0x115: {  	v0 =	vadd.f32 v1, v0  }
0x116: {  	v1 =	vld [tilespmem:s15+$0x6000]  }
0x117: {  	v0 =	vadd.f32 v2, v0  }
0x118: {  	v2 =	vld [tilespmem:s15+$0x6200]  }
0x119: {  	v0 =	vadd.f32 v3, v0  }
0x11a: {  	v3 =	vld [tilespmem:s15+$0x6400]  }
0x11b: {  	v0 =	vadd.f32 v1, v0  }
0x11c: {  	v1 =	vld [tilespmem:s15+$0x6600]  }
0x11d: {  	v0 =	vadd.f32 v2, v0;
	_ =	sdelay $0x1  }
0x11e: {  	v0 =	vadd.f32 v3, v0  }
.Ltmp1:
0x11f: {  	(pc) =	sbr.rel @p1 .LBB2_4-.Ltmp1, $3  }
0x120: {  	v0 =	vadd.f32 v1, v0;
	_ =	sdelay $0x1  }
0x121: {  	s15 =	sand.u32 $0x1F0, s16;
	[tilespmem:s14+$0x0] =	vst v0  }
0x122: {  	s16 =	sadd.s32 $0x10, s16;
	s14 =	sadd.s32 $0x10, s14;
	v0 =	vld [tilespmem:s15+$0x4E00]  }
0x123: {  	v1 =	vld [tilespmem:s14+$0x0];
	_ =	sdelay $0x1  }
0x124: {  	v2 =	vld [tilespmem:s15+$0x5000];
	_ =	sdelay $0x1  }
0x125: {  	v3 =	vld [tilespmem:s15+$0x5200]  }
0x126: {  	v0 =	vadd.f32 v0, v1  }
0x127: {  	v54 =	vld [tilespmem:s15+$0x5400]  }
0x128: {  	v0 =	vadd.f32 v2, v0  }
0x129: {  	v55 =	vld [tilespmem:s15+$0x5600]  }
0x12a: {  	v0 =	vadd.f32 v3, v0  }
0x12b: {  	v56 =	vld [tilespmem:s15+$0x5800]  }
0x12c: {  	v0 =	vadd.f32 v54, v0  }
0x12d: {  	v57 =	vld [tilespmem:s15+$0x5A00]  }
0x12e: {  	v0 =	vadd.f32 v55, v0  }
0x12f: {  	v58 =	vld [tilespmem:s15+$0x5C00]  }
0x130: {  	v0 =	vadd.f32 v56, v0  }
0x131: {  	v59 =	vld [tilespmem:s15+$0x5E00]  }
0x132: {  	v0 =	vadd.f32 v57, v0  }
0x133: {  	v60 =	vld [tilespmem:s15+$0x6000]  }
0x134: {  	v0 =	vadd.f32 v58, v0  }
0x135: {  	v61 =	vld [tilespmem:s15+$0x6200]  }
0x136: {  	v0 =	vadd.f32 v59, v0  }
0x137: {  	v62 =	vld [tilespmem:s15+$0x6400]  }
0x138: {  	v0 =	vadd.f32 v60, v0  }
0x139: {  	v63 =	vld [tilespmem:s15+$0x6600]  }
0x13a: {  	v0 =	vadd.f32 v61, v0;
	_ =	sdelay $0x1  }
0x13b: {  	v0 =	vadd.f32 v62, v0;
	_ =	sdelay $0x1  }
0x13c: {  	s13 =	sadd.s32 $0x1, s13;
	v0 =	vadd.f32 v63, v0  }
0x13d: {  	p1 =	sne.s32 s13, s25  }
.Ltmp2:
0x13e: {  	[tilespmem:s14+$0x0] =	vst v0;
	(pc) =	sbr.rel @p1 .LBB2_1-.Ltmp2, $4  }
0x13f: {  	[hbm4b:s22+s4] =	stream.linear.scatter [tilespmem:s12], [sflag:$0x5], $0x200, $0x38;
	[tilespmem:$0x15EA8] =	vst v63  }
0x140: {  	_ =	swait.ge [sflag:s7], $0x200  }
0x141: {  	[sflag:s7] =	ssyncset.done $0x0  }
0x142: {  	[sflag:s7] =	ssyncadd.s32 $0xFFFFFE00  }
0x143: {  	_ =	sfence.sel $0x180000  }
0x144: {  	[bflag:$0x0] =	sbarrier.arrive $0xFFFF  }
0x145: {  	_ =	strace $0x90000047  }
0x146: {  	[bflag:$0x2] =	sbarrier.arrive $0xFFFF  }
0x147: {  	s0 =	rddreg [dreg:$0x5]  }
0x148: {  	s0 =	sadd.s32 @!p0 $0x100000, s0  }
0x149: {  	[sflag:s0] =	ssyncadd.tile.s32 @!p0 $0x1;
	_ =	shalt  }
.Lfunc_end2:
_tile_overlayer_lowered:
.L_overlay_start_2:
0x14a: {  	(tag) =	ssettag $0x2  }
0x14b: {  	s0 =	rddreg [dreg:$0x0];
	s2 =	stileid.u32  }
0x14c: {  	s1 =	rddreg [dreg:$0x1];
	p0 =	sne.s32 s2, $0x0  }
0x14d: {  	s3 =	rddreg [dreg:$0x2];
	[bflag:$0x3] =	sbarrier.arrive $0xFFFF;
	s2 =	simm.s32 @!p0 $0x1C05  }
0x14e: {  	[timem:s3], [sflag:s2] =	dma.local @!p0 [hbm:s0], s1  }
0x14f: {  	s0 =	simm.s32 @!p0 $0x5  }
0x150: {  	_ =	swait.ge @!p0 [sflag:s0], s1  }
0x151: {  	s1 =	ssub.s32 @!p0 $0x0, s1;
	[sflag:s0] =	ssyncset.done @!p0 $0x0  }
0x152: {  	[sflag:s0] =	ssyncadd.s32 @!p0 s1  }
0x153: {  	[bflag:$0x3] =	sbarrier.arrive $0xFFFF  }
0x154: {  	_ =	shalt  }

</sc_bundles>
